<compile_context>
chip_gen: v7x
topology: tpu7x:2x2x1
jax: 0.10.2.dev20260603
libtpu: 0.0.44.dev20260713+nightly
codegen_flags: <defaults>
</compile_context>

<pallas_src>
import functools

import jax
import jax.numpy as jnp
from jax import lax
from jax.experimental import pallas as pl
from jax.experimental.pallas import tpu as pltpu
from jax.experimental.pallas import tpu_sc as plsc

_N = 10000
_D = 128
_E = 320000
_NC = 2
_NS = 16
_NW = _NC * _NS
_CHUNK = 128
_NCHUNK = _E // _CHUNK
_CH2 = 320
_NCH2 = _E // _CH2
_RPS = 632
_RPS_LAST = _N - 15 * _RPS

_mesh = plsc.VectorSubcoreMesh(core_axis_name="c", subcore_axis_name="s")


@functools.partial(
    pl.kernel,
    mesh=_mesh,
    out_type=jax.ShapeDtypeStruct((_NC, _N, _D), jnp.float32),
    scratch_types=[
        pltpu.VMEM((_CH2,), jnp.int32),
        pltpu.VMEM((_CH2, _D), jnp.float32),
        pltpu.VMEM_SHARED((_N, _D), jnp.float32),
        pltpu.SemaphoreType.DMA,
    ],
)
def _sc_degree(dst_hbm, ones_hbm, zeros_hbm, out_hbm, di_v, ones_v, acc_sh, sem):
    cid = lax.axis_index("c")
    sid = lax.axis_index("s")
    wid = sid * _NC + cid
    row0 = sid * _RPS

    pltpu.sync_copy(ones_hbm, ones_v)

    @pl.when(sid < 15)
    def _():
        pltpu.sync_copy(zeros_hbm, acc_sh.at[pl.ds(row0, _RPS)])

    @pl.when(sid == 15)
    def _():
        pltpu.sync_copy(zeros_hbm.at[pl.ds(0, _RPS_LAST)],
                        acc_sh.at[pl.ds(row0, _RPS_LAST)])

    plsc.subcore_barrier()

    @pl.loop(wid, _NCH2, step=_NW)
    def _(c):
        pltpu.sync_copy(dst_hbm.at[pl.ds(c * _CH2, _CH2)], di_v)
        pltpu.sync_copy(ones_v, acc_sh.at[di_v], add=True)

    plsc.subcore_barrier()

    @pl.when(sid < 15)
    def _():
        pltpu.sync_copy(acc_sh.at[pl.ds(row0, _RPS)],
                        out_hbm.at[cid, pl.ds(row0, _RPS)])

    @pl.when(sid == 15)
    def _():
        pltpu.sync_copy(acc_sh.at[pl.ds(row0, _RPS_LAST)],
                        out_hbm.at[cid, pl.ds(row0, _RPS_LAST)])


@functools.partial(
    pl.kernel,
    mesh=_mesh,
    out_type=jax.ShapeDtypeStruct((_NC, _N, _D), jnp.float32),
    scratch_types=[
        pltpu.VMEM((_CH2,), jnp.int32),
        pltpu.VMEM((_CH2,), jnp.int32),
        pltpu.VMEM((_CH2, _D), jnp.float32),
        pltpu.VMEM_SHARED((_N, _D), jnp.float32),
        pltpu.SemaphoreType.DMA,
    ],
)
def _sc_aggregate(g_hbm, src_hbm, dst_hbm, zeros_hbm, out_hbm,
                  si_v, di_v, rows_v, acc_sh, sem):
    cid = lax.axis_index("c")
    sid = lax.axis_index("s")
    wid = sid * _NC + cid
    row0 = sid * _RPS

    @pl.when(sid < 15)
    def _():
        pltpu.sync_copy(zeros_hbm, acc_sh.at[pl.ds(row0, _RPS)])

    @pl.when(sid == 15)
    def _():
        pltpu.sync_copy(zeros_hbm.at[pl.ds(0, _RPS_LAST)],
                        acc_sh.at[pl.ds(row0, _RPS_LAST)])

    plsc.subcore_barrier()

    @pl.loop(wid, _NCH2, step=_NW)
    def _(c):
        pltpu.sync_copy(src_hbm.at[pl.ds(c * _CH2, _CH2)], si_v)
        pltpu.sync_copy(dst_hbm.at[pl.ds(c * _CH2, _CH2)], di_v)
        pltpu.async_copy(g_hbm.at[si_v], rows_v, sem).wait()
        pltpu.sync_copy(rows_v, acc_sh.at[di_v], add=True)

    plsc.subcore_barrier()

    @pl.when(sid < 15)
    def _():
        pltpu.sync_copy(acc_sh.at[pl.ds(row0, _RPS)],
                        out_hbm.at[cid, pl.ds(row0, _RPS)])

    @pl.when(sid == 15)
    def _():
        pltpu.sync_copy(acc_sh.at[pl.ds(row0, _RPS_LAST)],
                        out_hbm.at[cid, pl.ds(row0, _RPS_LAST)])


def _mm_body(x_ref, w_ref, o_ref):
    o_ref[...] = lax.dot_general(
        x_ref[...], w_ref[...], (((1,), (1,)), ((), ())),
        preferred_element_type=jnp.float32)


_tc_matmul = pl.pallas_call(
    _mm_body, out_shape=jax.ShapeDtypeStruct((_N, _D), jnp.float32))


def _prep1_body(h_ref, d0_ref, d1_ref, dis_ref, g_ref):
    deg = d0_ref[...] + d1_ref[...] + 1.0
    dis = lax.rsqrt(deg)
    dis_ref[...] = dis
    g_ref[...] = dis * h_ref[...]


_tc_prep1 = pl.pallas_call(
    _prep1_body,
    out_shape=(jax.ShapeDtypeStruct((_N, 1), jnp.float32),
               jax.ShapeDtypeStruct((_N, _D), jnp.float32)))


def _layer_body(p0_ref, p1_ref, g_ref, dis_ref, b_ref, w_ref, go_ref):
    s = dis_ref[...] * (p0_ref[...] + p1_ref[...] + g_ref[...]) + b_ref[...]
    xr = jnp.maximum(s, 0.0)
    h = lax.dot_general(
        xr, w_ref[...], (((1,), (1,)), ((), ())),
        preferred_element_type=jnp.float32)
    go_ref[...] = dis_ref[...] * h


_tc_layer = pl.pallas_call(
    _layer_body, out_shape=jax.ShapeDtypeStruct((_N, _D), jnp.float32))


def _final_body(p0_ref, p1_ref, g_ref, dis_ref, b_ref, wl_ref, bl_ref, o_ref):
    s = dis_ref[...] * (p0_ref[...] + p1_ref[...] + g_ref[...]) + b_ref[...]
    h = jnp.maximum(s, 0.0)
    pooled = jnp.sum(h, axis=0, keepdims=True) / float(_N)
    o_ref[...] = jnp.sum(pooled * wl_ref[...], axis=1, keepdims=True) + bl_ref[...]


_tc_final = pl.pallas_call(
    _final_body, out_shape=jax.ShapeDtypeStruct((1, 1), jnp.float32))


def kernel(x, edge_index, batch, dropout_rate, W1, b1, W2, b2, W3, b3, Wl, bl):
    src = edge_index[0]
    dst = edge_index[1]
    ones16 = jnp.ones((_CH2, _D), jnp.float32)
    zerosD = jnp.zeros((_RPS, _D), jnp.float32)
    b1r, b2r, b3r = b1[None, :], b2[None, :], b3[None, :]
    blr = bl[None, :]

    deg_parts = _sc_degree(dst, ones16, zerosD)
    h1 = _tc_matmul(x, W1)
    dis, g1 = _tc_prep1(h1, deg_parts[0, :, 0:1], deg_parts[1, :, 0:1])
    p1 = _sc_aggregate(g1, src, dst, zerosD)
    g2 = _tc_layer(p1[0], p1[1], g1, dis, b1r, W2)
    p2 = _sc_aggregate(g2, src, dst, zerosD)
    g3 = _tc_layer(p2[0], p2[1], g2, dis, b2r, W3)
    p3 = _sc_aggregate(g3, src, dst, zerosD)
    return _tc_final(p3[0], p3[1], g3, dis, b3r, Wl, blr)

# --- scband reference (transcript-rebuilt; emitter-appended) ---
"""Pipeline reference for scband-gcn-42880953483607 (READ-ONLY COPY).

The authoritative reference and input builder live on the scoring server;
editing this copy changes nothing except your own understanding.
"""

import jax, jax.numpy as jnp
import numpy as np

N = 10000
E = 320000
D = 128
H = 128

def _xavier(key, shape):
    a = float(np.sqrt(6.0 / (shape[0] + shape[1])))
    return jax.random.uniform(key, shape, dtype=jnp.float32, minval=-a, maxval=a)

def setup_inputs(seed: int = 0):
    key = jax.random.key(seed)
    ks = jax.random.split(key, 8)
    x = jax.random.normal(ks[0], (N, D), dtype=jnp.float32)
    edge_index = jax.random.randint(ks[1], (2, E), 0, N, dtype=jnp.int32)
    batch = jnp.zeros((N,), dtype=jnp.int32)
    W1 = _xavier(ks[2], (H, D)); b1 = jnp.zeros((H,), jnp.float32)
    W2 = _xavier(ks[3], (H, H)); b2 = jnp.zeros((H,), jnp.float32)
    W3 = _xavier(ks[4], (H, H)); b3 = jnp.zeros((H,), jnp.float32)
    Wl = _xavier(ks[5], (1, H)); bl = jnp.zeros((1,), jnp.float32)
    return {"x": x, "edge_index": edge_index, "batch": batch, "dropout_rate": 0,
            "W1": W1, "b1": b1, "W2": W2, "b2": b2, "W3": W3, "b3": b3, "Wl": Wl, "bl": bl}

def _gcn_conv(x, src, dst, norm, W, b):
    # PyG GCNConv: out = D^-1/2 (A+I) D^-1/2 X W^T + b
    h = x @ W.T
    msg = h[src] * norm[:, None]
    out = jax.ops.segment_sum(msg, dst, num_segments=N)
    return out + b

def reference(x, edge_index, batch, dropout_rate, W1, b1, W2, b2, W3, b3, Wl, bl):
    # F.dropout with training=False (inference) is identity; dropout_rate unused numerically
    loops = jnp.arange(N, dtype=edge_index.dtype)
    src = jnp.concatenate([edge_index[0], loops])
    dst = jnp.concatenate([edge_index[1], loops])
    deg = jax.ops.segment_sum(jnp.ones_like(dst, dtype=jnp.float32), dst, num_segments=N)
    dis = jnp.where(deg > 0, deg ** -0.5, 0.0)
    norm = dis[src] * dis[dst]
    h = jax.nn.relu(_gcn_conv(x, src, dst, norm, W1, b1))
    h = jax.nn.relu(_gcn_conv(h, src, dst, norm, W2, b2))
    h = jax.nn.relu(_gcn_conv(h, src, dst, norm, W3, b3))
    cnt = jax.ops.segment_sum(jnp.ones((N,), jnp.float32), batch, num_segments=1)
    pooled = jax.ops.segment_sum(h, batch, num_segments=1) / jnp.maximum(cnt, 1.0)[:, None]
    return pooled @ Wl.T + bl

if __name__ == "__main__":
    import jax
    _d = setup_inputs()
    print(jax.jit(kernel)(*tuple(_d.values())))

</pallas_src>

<mosaic_0001>
#map = affine_map<(d0, d1) -> (0)>
#map1 = affine_map<(d0, d1) -> (0, 0)>
#map2 = affine_map<(d0, d1) -> (0, 0, 0)>
module attributes {stable_mosaic.version = 14 : i64} {
  func.func @_sc_degree(%arg0: i32, %arg1: i32, %arg2: memref<320000xi32, #tpu.memory_space<hbm>>, %arg3: memref<320x128xf32, #tpu.memory_space<hbm>>, %arg4: memref<632x128xf32, #tpu.memory_space<hbm>>, %arg5: memref<2x10000x128xf32, #tpu.memory_space<hbm>>, %arg6: memref<320xi32, #tpu.memory_space<vmem>>, %arg7: memref<320x128xf32, #tpu.memory_space<vmem>>, %arg8: memref<10000x128xf32, #tpu.memory_space<vmem_shared>>, %arg9: memref<!tpu.dma_semaphore, #tpu.memory_space<semaphore_mem>>) attributes {dimension_semantics = [#tpu.dimension_semantics<core_parallel>, #tpu.dimension_semantics<subcore_parallel>], iteration_bounds = array<i64: 2, 16>, scalar_prefetch = 0 : i64, scratch_operands = 4 : i64, tpu.core_type = #tpu.core_type<sc_vector_subcore>, window_params = [{transform_indices = #map}, {transform_indices = #map1}, {transform_indices = #map1}, {transform_indices = #map2}]} {
    %mul3A = arith.constant 2 : i32
    %mul3A_0 = arith.muli %arg1, %mul3A : i32
    %add3A = arith.addi %mul3A_0, %arg0 : i32
    %mul3A_1 = arith.constant 632 : i32
    %mul3A_2 = arith.muli %arg1, %mul3A_1 : i32
    "tpu.region"() ({
      %run_scoped3A = tpu.sem_alloc : memref<!tpu.dma_semaphore, #tpu.memory_space<semaphore_mem>>
      tpu.enqueue_dma source(%arg3 : memref<320x128xf32, #tpu.memory_space<hbm>>) target(%arg7 : memref<320x128xf32, #tpu.memory_space<vmem>>) target_semaphore(%run_scoped3A : memref<!tpu.dma_semaphore, #tpu.memory_space<semaphore_mem>>)
      tpu.wait_dma2 semaphore(%run_scoped3A : memref<!tpu.dma_semaphore, #tpu.memory_space<semaphore_mem>>) src(%arg3 : memref<320x128xf32, #tpu.memory_space<hbm>>) dst(%arg7 : memref<320x128xf32, #tpu.memory_space<vmem>>)
      tpu.yield
    }) : () -> ()
    %lt3A = arith.constant 15 : i32
    %lt3A_3 = arith.cmpi slt, %arg1, %lt3A : i32
    %convert_element_type3A = arith.extui %lt3A_3 : i1 to i32
    %cond3A = arith.constant 0 : i32
    %cond3A_4 = arith.cmpi ne, %convert_element_type3A, %cond3A : i32
    scf.if %cond3A_4 {
      "tpu.region"() ({
        %run_scoped3A = tpu.sem_alloc : memref<!tpu.dma_semaphore, #tpu.memory_space<semaphore_mem>>
        %dma_start3A = arith.constant 0 : i32
        %dma_start3A_35 = tpu.memref_slice %arg8[%mul3A_2, %dma_start3A] : memref<10000x128xf32, #tpu.memory_space<vmem_shared>> -> memref<632x128xf32, #tpu.memory_space<vmem_shared>>
        tpu.enqueue_dma source(%arg4 : memref<632x128xf32, #tpu.memory_space<hbm>>) target(%dma_start3A_35 : memref<632x128xf32, #tpu.memory_space<vmem_shared>>) target_semaphore(%run_scoped3A : memref<!tpu.dma_semaphore, #tpu.memory_space<semaphore_mem>>)
        %dma_wait3A = arith.constant 0 : i32
        %dma_wait3A_36 = tpu.memref_slice %arg8[%mul3A_2, %dma_wait3A] : memref<10000x128xf32, #tpu.memory_space<vmem_shared>> -> memref<632x128xf32, #tpu.memory_space<vmem_shared>>
        tpu.wait_dma2 semaphore(%run_scoped3A : memref<!tpu.dma_semaphore, #tpu.memory_space<semaphore_mem>>) src(%arg4 : memref<632x128xf32, #tpu.memory_space<hbm>>) dst(%dma_wait3A_36 : memref<632x128xf32, #tpu.memory_space<vmem_shared>>)
        tpu.yield
      }) : () -> ()
    } else {
    }
    %eq3A = arith.constant 15 : i32
    %eq3A_5 = arith.cmpi eq, %arg1, %eq3A : i32
    %convert_element_type3A_6 = arith.extui %eq3A_5 : i1 to i32
    %cond3A_7 = arith.constant 0 : i32
    %cond3A_8 = arith.cmpi ne, %convert_element_type3A_6, %cond3A_7 : i32
    scf.if %cond3A_8 {
      "tpu.region"() ({
        %run_scoped3A = tpu.sem_alloc : memref<!tpu.dma_semaphore, #tpu.memory_space<semaphore_mem>>
        %dma_start3A = arith.constant 0 : i32
        %dma_start3A_35 = tpu.memref_slice %arg8[%mul3A_2, %dma_start3A] : memref<10000x128xf32, #tpu.memory_space<vmem_shared>> -> memref<520x128xf32, #tpu.memory_space<vmem_shared>>
        %dma_start3A_36 = arith.constant 0 : i32
        %dma_start3A_37 = arith.constant 0 : i32
        %dma_start3A_38 = tpu.memref_slice %arg4[%dma_start3A_36, %dma_start3A_37] : memref<632x128xf32, #tpu.memory_space<hbm>> -> memref<520x128xf32, #tpu.memory_space<hbm>>
        tpu.enqueue_dma source(%dma_start3A_38 : memref<520x128xf32, #tpu.memory_space<hbm>>) target(%dma_start3A_35 : memref<520x128xf32, #tpu.memory_space<vmem_shared>>) target_semaphore(%run_scoped3A : memref<!tpu.dma_semaphore, #tpu.memory_space<semaphore_mem>>)
        %dma_wait3A = arith.constant 0 : i32
        %dma_wait3A_39 = tpu.memref_slice %arg8[%mul3A_2, %dma_wait3A] : memref<10000x128xf32, #tpu.memory_space<vmem_shared>> -> memref<520x128xf32, #tpu.memory_space<vmem_shared>>
        %dma_wait3A_40 = arith.constant 0 : i32
        %dma_wait3A_41 = arith.constant 0 : i32
        %dma_wait3A_42 = tpu.memref_slice %arg4[%dma_wait3A_40, %dma_wait3A_41] : memref<632x128xf32, #tpu.memory_space<hbm>> -> memref<520x128xf32, #tpu.memory_space<hbm>>
        tpu.wait_dma2 semaphore(%run_scoped3A : memref<!tpu.dma_semaphore, #tpu.memory_space<semaphore_mem>>) src(%dma_wait3A_42 : memref<520x128xf32, #tpu.memory_space<hbm>>) dst(%dma_wait3A_39 : memref<520x128xf32, #tpu.memory_space<vmem_shared>>)
        tpu.yield
      }) : () -> ()
    } else {
    }
    %barrier3A = arith.constant 0 : index
    tpu.barrier barrier_id(%barrier3A)
    %sub3A = arith.constant 1000 : i32
    %sub3A_9 = arith.subi %sub3A, %add3A : i32
    %sub3A_10 = arith.constant 32 : i32
    %sub3A_11 = arith.constant 1 : i32
    %sub3A_12 = arith.subi %sub3A_10, %sub3A_11 : i32
    %add3A_13 = arith.addi %sub3A_9, %sub3A_12 : i32
    %div3A = arith.constant 32 : i32
    %div3A_14 = arith.divsi %add3A_13, %div3A : i32
    %while3A = arith.constant 32 : i32
    %while3A_15 = arith.constant 0 : i32
    %while3A_16 = arith.subi %div3A_14, %while3A_15 : i32
    %while3A_17 = arith.addi %while3A_15, %while3A_16 : i32
    %while3A_18 = arith.constant 1 : i32
    %while3A_19 = arith.divsi %while3A_16, %while3A_18 : i32
    %while3A_20 = arith.muli %while3A_19, %while3A_18 : i32
    %while3A_21 = arith.addi %while3A_15, %while3A_20 : i32
    %while3A_22 = arith.constant 1 : i32
    scf.for %while3A_35 = %while3A_15 to %while3A_21 step %while3A_22  : i32 {
      %mul3A_36 = arith.muli %while3A_35, %while3A : i32
      %add3A_37 = arith.addi %add3A, %mul3A_36 : i32
      %mul3A_38 = arith.constant 320 : i32
      %mul3A_39 = arith.muli %add3A_37, %mul3A_38 : i32
      "tpu.region"() ({
        %run_scoped3A = tpu.sem_alloc : memref<!tpu.dma_semaphore, #tpu.memory_space<semaphore_mem>>
        %dma_start3A = tpu.memref_slice %arg2[%mul3A_39] : memref<320000xi32, #tpu.memory_space<hbm>> -> memref<320xi32, #tpu.memory_space<hbm>>
        %dma_start3A_40 = tpu.memref_slice %arg2[%mul3A_39] : memref<320000xi32, #tpu.memory_space<hbm>> -> memref<320xi32, #tpu.memory_space<hbm>>
        tpu.enqueue_dma source(%dma_start3A_40 : memref<320xi32, #tpu.memory_space<hbm>>) target(%arg6 : memref<320xi32, #tpu.memory_space<vmem>>) target_semaphore(%run_scoped3A : memref<!tpu.dma_semaphore, #tpu.memory_space<semaphore_mem>>)
        %dma_wait3A = tpu.memref_slice %arg2[%mul3A_39] : memref<320000xi32, #tpu.memory_space<hbm>> -> memref<320xi32, #tpu.memory_space<hbm>>
        %dma_wait3A_41 = tpu.memref_slice %arg2[%mul3A_39] : memref<320000xi32, #tpu.memory_space<hbm>> -> memref<320xi32, #tpu.memory_space<hbm>>
        tpu.wait_dma2 semaphore(%run_scoped3A : memref<!tpu.dma_semaphore, #tpu.memory_space<semaphore_mem>>) src(%dma_wait3A_41 : memref<320xi32, #tpu.memory_space<hbm>>) dst(%arg6 : memref<320xi32, #tpu.memory_space<vmem>>)
        tpu.yield
      }) : () -> ()
      "tpu.region"() ({
        %run_scoped3A = tpu.sem_alloc : memref<!tpu.dma_semaphore, #tpu.memory_space<semaphore_mem>>
        %dma_start3A = arith.constant 0 : i32
        %dma_start3A_40 = arith.constant 0 : i32
        %dma_start3A_41 = tpu.memref_slice %arg8[%dma_start3A, %dma_start3A_40] : memref<10000x128xf32, #tpu.memory_space<vmem_shared>> -> memref<10000x128xf32, #tpu.memory_space<vmem_shared>>
        tpu.enqueue_indirect_dma source(%arg7 : memref<320x128xf32, #tpu.memory_space<vmem>>) target(%dma_start3A_41 : memref<10000x128xf32, #tpu.memory_space<vmem_shared>>) offsets(%arg6 : memref<320xi32, #tpu.memory_space<vmem>>) semaphore(%run_scoped3A : memref<!tpu.dma_semaphore, #tpu.memory_space<semaphore_mem>>) {add = true}
        %dma_wait3A = arith.constant 0 : i32
        %dma_wait3A_42 = arith.constant 0 : i32
        %dma_wait3A_43 = tpu.memref_slice %arg8[%dma_wait3A, %dma_wait3A_42] : memref<10000x128xf32, #tpu.memory_space<vmem_shared>> -> memref<10000x128xf32, #tpu.memory_space<vmem_shared>>
        tpu.wait_indirect_dma semaphore(%run_scoped3A : memref<!tpu.dma_semaphore, #tpu.memory_space<semaphore_mem>>) src(%arg7 : memref<320x128xf32, #tpu.memory_space<vmem>>) dst(%dma_wait3A_43 : memref<10000x128xf32, #tpu.memory_space<vmem_shared>>)
        tpu.yield
      }) : () -> ()
    }
    %while3A_23 = arith.constant 1 : i32
    scf.for %while3A_35 = %while3A_21 to %while3A_17 step %while3A_23  : i32 {
      %mul3A_36 = arith.muli %while3A_35, %while3A : i32
      %add3A_37 = arith.addi %add3A, %mul3A_36 : i32
      %mul3A_38 = arith.constant 320 : i32
      %mul3A_39 = arith.muli %add3A_37, %mul3A_38 : i32
      "tpu.region"() ({
        %run_scoped3A = tpu.sem_alloc : memref<!tpu.dma_semaphore, #tpu.memory_space<semaphore_mem>>
        %dma_start3A = tpu.memref_slice %arg2[%mul3A_39] : memref<320000xi32, #tpu.memory_space<hbm>> -> memref<320xi32, #tpu.memory_space<hbm>>
        %dma_start3A_40 = tpu.memref_slice %arg2[%mul3A_39] : memref<320000xi32, #tpu.memory_space<hbm>> -> memref<320xi32, #tpu.memory_space<hbm>>
        tpu.enqueue_dma source(%dma_start3A_40 : memref<320xi32, #tpu.memory_space<hbm>>) target(%arg6 : memref<320xi32, #tpu.memory_space<vmem>>) target_semaphore(%run_scoped3A : memref<!tpu.dma_semaphore, #tpu.memory_space<semaphore_mem>>)
        %dma_wait3A = tpu.memref_slice %arg2[%mul3A_39] : memref<320000xi32, #tpu.memory_space<hbm>> -> memref<320xi32, #tpu.memory_space<hbm>>
        %dma_wait3A_41 = tpu.memref_slice %arg2[%mul3A_39] : memref<320000xi32, #tpu.memory_space<hbm>> -> memref<320xi32, #tpu.memory_space<hbm>>
        tpu.wait_dma2 semaphore(%run_scoped3A : memref<!tpu.dma_semaphore, #tpu.memory_space<semaphore_mem>>) src(%dma_wait3A_41 : memref<320xi32, #tpu.memory_space<hbm>>) dst(%arg6 : memref<320xi32, #tpu.memory_space<vmem>>)
        tpu.yield
      }) : () -> ()
      "tpu.region"() ({
        %run_scoped3A = tpu.sem_alloc : memref<!tpu.dma_semaphore, #tpu.memory_space<semaphore_mem>>
        %dma_start3A = arith.constant 0 : i32
        %dma_start3A_40 = arith.constant 0 : i32
        %dma_start3A_41 = tpu.memref_slice %arg8[%dma_start3A, %dma_start3A_40] : memref<10000x128xf32, #tpu.memory_space<vmem_shared>> -> memref<10000x128xf32, #tpu.memory_space<vmem_shared>>
        tpu.enqueue_indirect_dma source(%arg7 : memref<320x128xf32, #tpu.memory_space<vmem>>) target(%dma_start3A_41 : memref<10000x128xf32, #tpu.memory_space<vmem_shared>>) offsets(%arg6 : memref<320xi32, #tpu.memory_space<vmem>>) semaphore(%run_scoped3A : memref<!tpu.dma_semaphore, #tpu.memory_space<semaphore_mem>>) {add = true}
        %dma_wait3A = arith.constant 0 : i32
        %dma_wait3A_42 = arith.constant 0 : i32
        %dma_wait3A_43 = tpu.memref_slice %arg8[%dma_wait3A, %dma_wait3A_42] : memref<10000x128xf32, #tpu.memory_space<vmem_shared>> -> memref<10000x128xf32, #tpu.memory_space<vmem_shared>>
        tpu.wait_indirect_dma semaphore(%run_scoped3A : memref<!tpu.dma_semaphore, #tpu.memory_space<semaphore_mem>>) src(%arg7 : memref<320x128xf32, #tpu.memory_space<vmem>>) dst(%dma_wait3A_43 : memref<10000x128xf32, #tpu.memory_space<vmem_shared>>)
        tpu.yield
      }) : () -> ()
    }
    %barrier3A_24 = arith.constant 0 : index
    tpu.barrier barrier_id(%barrier3A_24)
    %lt3A_25 = arith.constant 15 : i32
    %lt3A_26 = arith.cmpi slt, %arg1, %lt3A_25 : i32
    %convert_element_type3A_27 = arith.extui %lt3A_26 : i1 to i32
    %cond3A_28 = arith.constant 0 : i32
    %cond3A_29 = arith.cmpi ne, %convert_element_type3A_27, %cond3A_28 : i32
    scf.if %cond3A_29 {
      "tpu.region"() ({
        %run_scoped3A = tpu.sem_alloc : memref<!tpu.dma_semaphore, #tpu.memory_space<semaphore_mem>>
        %dma_start3A = arith.constant 0 : i32
        %dma_start3A_35 = tpu.memref_slice %arg5[%arg0, %mul3A_2, %dma_start3A] : memref<2x10000x128xf32, #tpu.memory_space<hbm>> -> memref<1x632x128xf32, #tpu.memory_space<hbm>>
        %dma_start3A_36 = tpu.memref_squeeze %dma_start3A_35 : memref<1x632x128xf32, #tpu.memory_space<hbm>> -> memref<632x128xf32, #tpu.memory_space<hbm>>
        %dma_start3A_37 = arith.constant 0 : i32
        %dma_start3A_38 = tpu.memref_slice %arg8[%mul3A_2, %dma_start3A_37] : memref<10000x128xf32, #tpu.memory_space<vmem_shared>> -> memref<632x128xf32, #tpu.memory_space<vmem_shared>>
        tpu.enqueue_dma source(%dma_start3A_38 : memref<632x128xf32, #tpu.memory_space<vmem_shared>>) target(%dma_start3A_36 : memref<632x128xf32, #tpu.memory_space<hbm>>) target_semaphore(%run_scoped3A : memref<!tpu.dma_semaphore, #tpu.memory_space<semaphore_mem>>)
        %dma_wait3A = arith.constant 0 : i32
        %dma_wait3A_39 = tpu.memref_slice %arg5[%arg0, %mul3A_2, %dma_wait3A] : memref<2x10000x128xf32, #tpu.memory_space<hbm>> -> memref<1x632x128xf32, #tpu.memory_space<hbm>>
        %dma_wait3A_40 = tpu.memref_squeeze %dma_wait3A_39 : memref<1x632x128xf32, #tpu.memory_space<hbm>> -> memref<632x128xf32, #tpu.memory_space<hbm>>
        %dma_wait3A_41 = arith.constant 0 : i32
        %dma_wait3A_42 = tpu.memref_slice %arg8[%mul3A_2, %dma_wait3A_41] : memref<10000x128xf32, #tpu.memory_space<vmem_shared>> -> memref<632x128xf32, #tpu.memory_space<vmem_shared>>
        tpu.wait_dma2 semaphore(%run_scoped3A : memref<!tpu.dma_semaphore, #tpu.memory_space<semaphore_mem>>) src(%dma_wait3A_42 : memref<632x128xf32, #tpu.memory_space<vmem_shared>>) dst(%dma_wait3A_40 : memref<632x128xf32, #tpu.memory_space<hbm>>)
        tpu.yield
      }) : () -> ()
    } else {
    }
    %eq3A_30 = arith.constant 15 : i32
    %eq3A_31 = arith.cmpi eq, %arg1, %eq3A_30 : i32
    %convert_element_type3A_32 = arith.extui %eq3A_31 : i1 to i32
    %cond3A_33 = arith.constant 0 : i32
    %cond3A_34 = arith.cmpi ne, %convert_element_type3A_32, %cond3A_33 : i32
    scf.if %cond3A_34 {
      "tpu.region"() ({
        %run_scoped3A = tpu.sem_alloc : memref<!tpu.dma_semaphore, #tpu.memory_space<semaphore_mem>>
        %dma_start3A = arith.constant 0 : i32
        %dma_start3A_35 = tpu.memref_slice %arg5[%arg0, %mul3A_2, %dma_start3A] : memref<2x10000x128xf32, #tpu.memory_space<hbm>> -> memref<1x520x128xf32, #tpu.memory_space<hbm>>
        %dma_start3A_36 = tpu.memref_squeeze %dma_start3A_35 : memref<1x520x128xf32, #tpu.memory_space<hbm>> -> memref<520x128xf32, #tpu.memory_space<hbm>>
        %dma_start3A_37 = arith.constant 0 : i32
        %dma_start3A_38 = tpu.memref_slice %arg8[%mul3A_2, %dma_start3A_37] : memref<10000x128xf32, #tpu.memory_space<vmem_shared>> -> memref<520x128xf32, #tpu.memory_space<vmem_shared>>
        tpu.enqueue_dma source(%dma_start3A_38 : memref<520x128xf32, #tpu.memory_space<vmem_shared>>) target(%dma_start3A_36 : memref<520x128xf32, #tpu.memory_space<hbm>>) target_semaphore(%run_scoped3A : memref<!tpu.dma_semaphore, #tpu.memory_space<semaphore_mem>>)
        %dma_wait3A = arith.constant 0 : i32
        %dma_wait3A_39 = tpu.memref_slice %arg5[%arg0, %mul3A_2, %dma_wait3A] : memref<2x10000x128xf32, #tpu.memory_space<hbm>> -> memref<1x520x128xf32, #tpu.memory_space<hbm>>
        %dma_wait3A_40 = tpu.memref_squeeze %dma_wait3A_39 : memref<1x520x128xf32, #tpu.memory_space<hbm>> -> memref<520x128xf32, #tpu.memory_space<hbm>>
        %dma_wait3A_41 = arith.constant 0 : i32
        %dma_wait3A_42 = tpu.memref_slice %arg8[%mul3A_2, %dma_wait3A_41] : memref<10000x128xf32, #tpu.memory_space<vmem_shared>> -> memref<520x128xf32, #tpu.memory_space<vmem_shared>>
        tpu.wait_dma2 semaphore(%run_scoped3A : memref<!tpu.dma_semaphore, #tpu.memory_space<semaphore_mem>>) src(%dma_wait3A_42 : memref<520x128xf32, #tpu.memory_space<vmem_shared>>) dst(%dma_wait3A_40 : memref<520x128xf32, #tpu.memory_space<hbm>>)
        tpu.yield
      }) : () -> ()
    } else {
    }
    return
  }
}

#map = affine_map<(d0, d1) -> (0, 0)>
#map1 = affine_map<(d0, d1) -> (0)>
#map2 = affine_map<(d0, d1) -> (0, 0, 0)>
module attributes {stable_mosaic.version = 14 : i64} {
  func.func @_sc_aggregate(%arg0: i32, %arg1: i32, %arg2: memref<10000x128xf32, #tpu.memory_space<hbm>>, %arg3: memref<320000xi32, #tpu.memory_space<hbm>>, %arg4: memref<320000xi32, #tpu.memory_space<hbm>>, %arg5: memref<632x128xf32, #tpu.memory_space<hbm>>, %arg6: memref<2x10000x128xf32, #tpu.memory_space<hbm>>, %arg7: memref<320xi32, #tpu.memory_space<vmem>>, %arg8: memref<320xi32, #tpu.memory_space<vmem>>, %arg9: memref<320x128xf32, #tpu.memory_space<vmem>>, %arg10: memref<10000x128xf32, #tpu.memory_space<vmem_shared>>, %arg11: memref<!tpu.dma_semaphore, #tpu.memory_space<semaphore_mem>>) attributes {dimension_semantics = [#tpu.dimension_semantics<core_parallel>, #tpu.dimension_semantics<subcore_parallel>], iteration_bounds = array<i64: 2, 16>, scalar_prefetch = 0 : i64, scratch_operands = 5 : i64, tpu.core_type = #tpu.core_type<sc_vector_subcore>, window_params = [{transform_indices = #map}, {transform_indices = #map1}, {transform_indices = #map1}, {transform_indices = #map}, {transform_indices = #map2}]} {
    %mul3A = arith.constant 2 : i32
    %mul3A_0 = arith.muli %arg1, %mul3A : i32
    %add3A = arith.addi %mul3A_0, %arg0 : i32
    %mul3A_1 = arith.constant 632 : i32
    %mul3A_2 = arith.muli %arg1, %mul3A_1 : i32
    %lt3A = arith.constant 15 : i32
    %lt3A_3 = arith.cmpi slt, %arg1, %lt3A : i32
    %convert_element_type3A = arith.extui %lt3A_3 : i1 to i32
    %cond3A = arith.constant 0 : i32
    %cond3A_4 = arith.cmpi ne, %convert_element_type3A, %cond3A : i32
    scf.if %cond3A_4 {
      "tpu.region"() ({
        %run_scoped3A = tpu.sem_alloc : memref<!tpu.dma_semaphore, #tpu.memory_space<semaphore_mem>>
        %dma_start3A = arith.constant 0 : i32
        %dma_start3A_35 = tpu.memref_slice %arg10[%mul3A_2, %dma_start3A] : memref<10000x128xf32, #tpu.memory_space<vmem_shared>> -> memref<632x128xf32, #tpu.memory_space<vmem_shared>>
        tpu.enqueue_dma source(%arg5 : memref<632x128xf32, #tpu.memory_space<hbm>>) target(%dma_start3A_35 : memref<632x128xf32, #tpu.memory_space<vmem_shared>>) target_semaphore(%run_scoped3A : memref<!tpu.dma_semaphore, #tpu.memory_space<semaphore_mem>>)
        %dma_wait3A = arith.constant 0 : i32
        %dma_wait3A_36 = tpu.memref_slice %arg10[%mul3A_2, %dma_wait3A] : memref<10000x128xf32, #tpu.memory_space<vmem_shared>> -> memref<632x128xf32, #tpu.memory_space<vmem_shared>>
        tpu.wait_dma2 semaphore(%run_scoped3A : memref<!tpu.dma_semaphore, #tpu.memory_space<semaphore_mem>>) src(%arg5 : memref<632x128xf32, #tpu.memory_space<hbm>>) dst(%dma_wait3A_36 : memref<632x128xf32, #tpu.memory_space<vmem_shared>>)
        tpu.yield
      }) : () -> ()
    } else {
    }
    %eq3A = arith.constant 15 : i32
    %eq3A_5 = arith.cmpi eq, %arg1, %eq3A : i32
    %convert_element_type3A_6 = arith.extui %eq3A_5 : i1 to i32
    %cond3A_7 = arith.constant 0 : i32
    %cond3A_8 = arith.cmpi ne, %convert_element_type3A_6, %cond3A_7 : i32
    scf.if %cond3A_8 {
      "tpu.region"() ({
        %run_scoped3A = tpu.sem_alloc : memref<!tpu.dma_semaphore, #tpu.memory_space<semaphore_mem>>
        %dma_start3A = arith.constant 0 : i32
        %dma_start3A_35 = tpu.memref_slice %arg10[%mul3A_2, %dma_start3A] : memref<10000x128xf32, #tpu.memory_space<vmem_shared>> -> memref<520x128xf32, #tpu.memory_space<vmem_shared>>
        %dma_start3A_36 = arith.constant 0 : i32
        %dma_start3A_37 = arith.constant 0 : i32
        %dma_start3A_38 = tpu.memref_slice %arg5[%dma_start3A_36, %dma_start3A_37] : memref<632x128xf32, #tpu.memory_space<hbm>> -> memref<520x128xf32, #tpu.memory_space<hbm>>
        tpu.enqueue_dma source(%dma_start3A_38 : memref<520x128xf32, #tpu.memory_space<hbm>>) target(%dma_start3A_35 : memref<520x128xf32, #tpu.memory_space<vmem_shared>>) target_semaphore(%run_scoped3A : memref<!tpu.dma_semaphore, #tpu.memory_space<semaphore_mem>>)
        %dma_wait3A = arith.constant 0 : i32
        %dma_wait3A_39 = tpu.memref_slice %arg10[%mul3A_2, %dma_wait3A] : memref<10000x128xf32, #tpu.memory_space<vmem_shared>> -> memref<520x128xf32, #tpu.memory_space<vmem_shared>>
        %dma_wait3A_40 = arith.constant 0 : i32
        %dma_wait3A_41 = arith.constant 0 : i32
        %dma_wait3A_42 = tpu.memref_slice %arg5[%dma_wait3A_40, %dma_wait3A_41] : memref<632x128xf32, #tpu.memory_space<hbm>> -> memref<520x128xf32, #tpu.memory_space<hbm>>
        tpu.wait_dma2 semaphore(%run_scoped3A : memref<!tpu.dma_semaphore, #tpu.memory_space<semaphore_mem>>) src(%dma_wait3A_42 : memref<520x128xf32, #tpu.memory_space<hbm>>) dst(%dma_wait3A_39 : memref<520x128xf32, #tpu.memory_space<vmem_shared>>)
        tpu.yield
      }) : () -> ()
    } else {
    }
    %barrier3A = arith.constant 0 : index
    tpu.barrier barrier_id(%barrier3A)
    %sub3A = arith.constant 1000 : i32
    %sub3A_9 = arith.subi %sub3A, %add3A : i32
    %sub3A_10 = arith.constant 32 : i32
    %sub3A_11 = arith.constant 1 : i32
    %sub3A_12 = arith.subi %sub3A_10, %sub3A_11 : i32
    %add3A_13 = arith.addi %sub3A_9, %sub3A_12 : i32
    %div3A = arith.constant 32 : i32
    %div3A_14 = arith.divsi %add3A_13, %div3A : i32
    %while3A = arith.constant 32 : i32
    %while3A_15 = arith.constant 0 : i32
    %while3A_16 = arith.subi %div3A_14, %while3A_15 : i32
    %while3A_17 = arith.addi %while3A_15, %while3A_16 : i32
    %while3A_18 = arith.constant 1 : i32
    %while3A_19 = arith.divsi %while3A_16, %while3A_18 : i32
    %while3A_20 = arith.muli %while3A_19, %while3A_18 : i32
    %while3A_21 = arith.addi %while3A_15, %while3A_20 : i32
    %while3A_22 = arith.constant 1 : i32
    scf.for %while3A_35 = %while3A_15 to %while3A_21 step %while3A_22  : i32 {
      %mul3A_36 = arith.muli %while3A_35, %while3A : i32
      %add3A_37 = arith.addi %add3A, %mul3A_36 : i32
      %mul3A_38 = arith.constant 320 : i32
      %mul3A_39 = arith.muli %add3A_37, %mul3A_38 : i32
      "tpu.region"() ({
        %run_scoped3A = tpu.sem_alloc : memref<!tpu.dma_semaphore, #tpu.memory_space<semaphore_mem>>
        %dma_start3A_46 = tpu.memref_slice %arg3[%mul3A_39] : memref<320000xi32, #tpu.memory_space<hbm>> -> memref<320xi32, #tpu.memory_space<hbm>>
        %dma_start3A_47 = tpu.memref_slice %arg3[%mul3A_39] : memref<320000xi32, #tpu.memory_space<hbm>> -> memref<320xi32, #tpu.memory_space<hbm>>
        tpu.enqueue_dma source(%dma_start3A_47 : memref<320xi32, #tpu.memory_space<hbm>>) target(%arg7 : memref<320xi32, #tpu.memory_space<vmem>>) target_semaphore(%run_scoped3A : memref<!tpu.dma_semaphore, #tpu.memory_space<semaphore_mem>>)
        %dma_wait3A_48 = tpu.memref_slice %arg3[%mul3A_39] : memref<320000xi32, #tpu.memory_space<hbm>> -> memref<320xi32, #tpu.memory_space<hbm>>
        %dma_wait3A_49 = tpu.memref_slice %arg3[%mul3A_39] : memref<320000xi32, #tpu.memory_space<hbm>> -> memref<320xi32, #tpu.memory_space<hbm>>
        tpu.wait_dma2 semaphore(%run_scoped3A : memref<!tpu.dma_semaphore, #tpu.memory_space<semaphore_mem>>) src(%dma_wait3A_49 : memref<320xi32, #tpu.memory_space<hbm>>) dst(%arg7 : memref<320xi32, #tpu.memory_space<vmem>>)
        tpu.yield
      }) : () -> ()
      %mul3A_40 = arith.constant 320 : i32
      %mul3A_41 = arith.muli %add3A_37, %mul3A_40 : i32
      "tpu.region"() ({
        %run_scoped3A = tpu.sem_alloc : memref<!tpu.dma_semaphore, #tpu.memory_space<semaphore_mem>>
        %dma_start3A_46 = tpu.memref_slice %arg4[%mul3A_41] : memref<320000xi32, #tpu.memory_space<hbm>> -> memref<320xi32, #tpu.memory_space<hbm>>
        %dma_start3A_47 = tpu.memref_slice %arg4[%mul3A_41] : memref<320000xi32, #tpu.memory_space<hbm>> -> memref<320xi32, #tpu.memory_space<hbm>>
        tpu.enqueue_dma source(%dma_start3A_47 : memref<320xi32, #tpu.memory_space<hbm>>) target(%arg8 : memref<320xi32, #tpu.memory_space<vmem>>) target_semaphore(%run_scoped3A : memref<!tpu.dma_semaphore, #tpu.memory_space<semaphore_mem>>)
        %dma_wait3A_48 = tpu.memref_slice %arg4[%mul3A_41] : memref<320000xi32, #tpu.memory_space<hbm>> -> memref<320xi32, #tpu.memory_space<hbm>>
        %dma_wait3A_49 = tpu.memref_slice %arg4[%mul3A_41] : memref<320000xi32, #tpu.memory_space<hbm>> -> memref<320xi32, #tpu.memory_space<hbm>>
        tpu.wait_dma2 semaphore(%run_scoped3A : memref<!tpu.dma_semaphore, #tpu.memory_space<semaphore_mem>>) src(%dma_wait3A_49 : memref<320xi32, #tpu.memory_space<hbm>>) dst(%arg8 : memref<320xi32, #tpu.memory_space<vmem>>)
        tpu.yield
      }) : () -> ()
      %dma_start3A = arith.constant 0 : i32
      %dma_start3A_42 = arith.constant 0 : i32
      %dma_start3A_43 = tpu.memref_slice %arg2[%dma_start3A, %dma_start3A_42] : memref<10000x128xf32, #tpu.memory_space<hbm>> -> memref<10000x128xf32, #tpu.memory_space<hbm>>
      tpu.enqueue_indirect_dma source(%dma_start3A_43 : memref<10000x128xf32, #tpu.memory_space<hbm>>) target(%arg9 : memref<320x128xf32, #tpu.memory_space<vmem>>) offsets(%arg7 : memref<320xi32, #tpu.memory_space<vmem>>) semaphore(%arg11 : memref<!tpu.dma_semaphore, #tpu.memory_space<semaphore_mem>>)
      %dma_wait3A = arith.constant 0 : i32
      %dma_wait3A_44 = arith.constant 0 : i32
      %dma_wait3A_45 = tpu.memref_slice %arg2[%dma_wait3A, %dma_wait3A_44] : memref<10000x128xf32, #tpu.memory_space<hbm>> -> memref<10000x128xf32, #tpu.memory_space<hbm>>
      tpu.wait_indirect_dma semaphore(%arg11 : memref<!tpu.dma_semaphore, #tpu.memory_space<semaphore_mem>>) src(%dma_wait3A_45 : memref<10000x128xf32, #tpu.memory_space<hbm>>) dst(%arg9 : memref<320x128xf32, #tpu.memory_space<vmem>>)
      "tpu.region"() ({
        %run_scoped3A = tpu.sem_alloc : memref<!tpu.dma_semaphore, #tpu.memory_space<semaphore_mem>>
        %dma_start3A_46 = arith.constant 0 : i32
        %dma_start3A_47 = arith.constant 0 : i32
        %dma_start3A_48 = tpu.memref_slice %arg10[%dma_start3A_46, %dma_start3A_47] : memref<10000x128xf32, #tpu.memory_space<vmem_shared>> -> memref<10000x128xf32, #tpu.memory_space<vmem_shared>>
        tpu.enqueue_indirect_dma source(%arg9 : memref<320x128xf32, #tpu.memory_space<vmem>>) target(%dma_start3A_48 : memref<10000x128xf32, #tpu.memory_space<vmem_shared>>) offsets(%arg8 : memref<320xi32, #tpu.memory_space<vmem>>) semaphore(%run_scoped3A : memref<!tpu.dma_semaphore, #tpu.memory_space<semaphore_mem>>) {add = true}
        %dma_wait3A_49 = arith.constant 0 : i32
        %dma_wait3A_50 = arith.constant 0 : i32
        %dma_wait3A_51 = tpu.memref_slice %arg10[%dma_wait3A_49, %dma_wait3A_50] : memref<10000x128xf32, #tpu.memory_space<vmem_shared>> -> memref<10000x128xf32, #tpu.memory_space<vmem_shared>>
        tpu.wait_indirect_dma semaphore(%run_scoped3A : memref<!tpu.dma_semaphore, #tpu.memory_space<semaphore_mem>>) src(%arg9 : memref<320x128xf32, #tpu.memory_space<vmem>>) dst(%dma_wait3A_51 : memref<10000x128xf32, #tpu.memory_space<vmem_shared>>)
        tpu.yield
      }) : () -> ()
    }
    %while3A_23 = arith.constant 1 : i32
    scf.for %while3A_35 = %while3A_21 to %while3A_17 step %while3A_23  : i32 {
      %mul3A_36 = arith.muli %while3A_35, %while3A : i32
      %add3A_37 = arith.addi %add3A, %mul3A_36 : i32
      %mul3A_38 = arith.constant 320 : i32
      %mul3A_39 = arith.muli %add3A_37, %mul3A_38 : i32
      "tpu.region"() ({
        %run_scoped3A = tpu.sem_alloc : memref<!tpu.dma_semaphore, #tpu.memory_space<semaphore_mem>>
        %dma_start3A_46 = tpu.memref_slice %arg3[%mul3A_39] : memref<320000xi32, #tpu.memory_space<hbm>> -> memref<320xi32, #tpu.memory_space<hbm>>
        %dma_start3A_47 = tpu.memref_slice %arg3[%mul3A_39] : memref<320000xi32, #tpu.memory_space<hbm>> -> memref<320xi32, #tpu.memory_space<hbm>>
        tpu.enqueue_dma source(%dma_start3A_47 : memref<320xi32, #tpu.memory_space<hbm>>) target(%arg7 : memref<320xi32, #tpu.memory_space<vmem>>) target_semaphore(%run_scoped3A : memref<!tpu.dma_semaphore, #tpu.memory_space<semaphore_mem>>)
        %dma_wait3A_48 = tpu.memref_slice %arg3[%mul3A_39] : memref<320000xi32, #tpu.memory_space<hbm>> -> memref<320xi32, #tpu.memory_space<hbm>>
        %dma_wait3A_49 = tpu.memref_slice %arg3[%mul3A_39] : memref<320000xi32, #tpu.memory_space<hbm>> -> memref<320xi32, #tpu.memory_space<hbm>>
        tpu.wait_dma2 semaphore(%run_scoped3A : memref<!tpu.dma_semaphore, #tpu.memory_space<semaphore_mem>>) src(%dma_wait3A_49 : memref<320xi32, #tpu.memory_space<hbm>>) dst(%arg7 : memref<320xi32, #tpu.memory_space<vmem>>)
        tpu.yield
      }) : () -> ()
      %mul3A_40 = arith.constant 320 : i32
      %mul3A_41 = arith.muli %add3A_37, %mul3A_40 : i32
      "tpu.region"() ({
        %run_scoped3A = tpu.sem_alloc : memref<!tpu.dma_semaphore, #tpu.memory_space<semaphore_mem>>
        %dma_start3A_46 = tpu.memref_slice %arg4[%mul3A_41] : memref<320000xi32, #tpu.memory_space<hbm>> -> memref<320xi32, #tpu.memory_space<hbm>>
        %dma_start3A_47 = tpu.memref_slice %arg4[%mul3A_41] : memref<320000xi32, #tpu.memory_space<hbm>> -> memref<320xi32, #tpu.memory_space<hbm>>
        tpu.enqueue_dma source(%dma_start3A_47 : memref<320xi32, #tpu.memory_space<hbm>>) target(%arg8 : memref<320xi32, #tpu.memory_space<vmem>>) target_semaphore(%run_scoped3A : memref<!tpu.dma_semaphore, #tpu.memory_space<semaphore_mem>>)
        %dma_wait3A_48 = tpu.memref_slice %arg4[%mul3A_41] : memref<320000xi32, #tpu.memory_space<hbm>> -> memref<320xi32, #tpu.memory_space<hbm>>
        %dma_wait3A_49 = tpu.memref_slice %arg4[%mul3A_41] : memref<320000xi32, #tpu.memory_space<hbm>> -> memref<320xi32, #tpu.memory_space<hbm>>
        tpu.wait_dma2 semaphore(%run_scoped3A : memref<!tpu.dma_semaphore, #tpu.memory_space<semaphore_mem>>) src(%dma_wait3A_49 : memref<320xi32, #tpu.memory_space<hbm>>) dst(%arg8 : memref<320xi32, #tpu.memory_space<vmem>>)
        tpu.yield
      }) : () -> ()
      %dma_start3A = arith.constant 0 : i32
      %dma_start3A_42 = arith.constant 0 : i32
      %dma_start3A_43 = tpu.memref_slice %arg2[%dma_start3A, %dma_start3A_42] : memref<10000x128xf32, #tpu.memory_space<hbm>> -> memref<10000x128xf32, #tpu.memory_space<hbm>>
      tpu.enqueue_indirect_dma source(%dma_start3A_43 : memref<10000x128xf32, #tpu.memory_space<hbm>>) target(%arg9 : memref<320x128xf32, #tpu.memory_space<vmem>>) offsets(%arg7 : memref<320xi32, #tpu.memory_space<vmem>>) semaphore(%arg11 : memref<!tpu.dma_semaphore, #tpu.memory_space<semaphore_mem>>)
      %dma_wait3A = arith.constant 0 : i32
      %dma_wait3A_44 = arith.constant 0 : i32
      %dma_wait3A_45 = tpu.memref_slice %arg2[%dma_wait3A, %dma_wait3A_44] : memref<10000x128xf32, #tpu.memory_space<hbm>> -> memref<10000x128xf32, #tpu.memory_space<hbm>>
      tpu.wait_indirect_dma semaphore(%arg11 : memref<!tpu.dma_semaphore, #tpu.memory_space<semaphore_mem>>) src(%dma_wait3A_45 : memref<10000x128xf32, #tpu.memory_space<hbm>>) dst(%arg9 : memref<320x128xf32, #tpu.memory_space<vmem>>)
      "tpu.region"() ({
        %run_scoped3A = tpu.sem_alloc : memref<!tpu.dma_semaphore, #tpu.memory_space<semaphore_mem>>
        %dma_start3A_46 = arith.constant 0 : i32
        %dma_start3A_47 = arith.constant 0 : i32
        %dma_start3A_48 = tpu.memref_slice %arg10[%dma_start3A_46, %dma_start3A_47] : memref<10000x128xf32, #tpu.memory_space<vmem_shared>> -> memref<10000x128xf32, #tpu.memory_space<vmem_shared>>
        tpu.enqueue_indirect_dma source(%arg9 : memref<320x128xf32, #tpu.memory_space<vmem>>) target(%dma_start3A_48 : memref<10000x128xf32, #tpu.memory_space<vmem_shared>>) offsets(%arg8 : memref<320xi32, #tpu.memory_space<vmem>>) semaphore(%run_scoped3A : memref<!tpu.dma_semaphore, #tpu.memory_space<semaphore_mem>>) {add = true}
        %dma_wait3A_49 = arith.constant 0 : i32
        %dma_wait3A_50 = arith.constant 0 : i32
        %dma_wait3A_51 = tpu.memref_slice %arg10[%dma_wait3A_49, %dma_wait3A_50] : memref<10000x128xf32, #tpu.memory_space<vmem_shared>> -> memref<10000x128xf32, #tpu.memory_space<vmem_shared>>
        tpu.wait_indirect_dma semaphore(%run_scoped3A : memref<!tpu.dma_semaphore, #tpu.memory_space<semaphore_mem>>) src(%arg9 : memref<320x128xf32, #tpu.memory_space<vmem>>) dst(%dma_wait3A_51 : memref<10000x128xf32, #tpu.memory_space<vmem_shared>>)
        tpu.yield
      }) : () -> ()
    }
    %barrier3A_24 = arith.constant 0 : index
    tpu.barrier barrier_id(%barrier3A_24)
    %lt3A_25 = arith.constant 15 : i32
    %lt3A_26 = arith.cmpi slt, %arg1, %lt3A_25 : i32
    %convert_element_type3A_27 = arith.extui %lt3A_26 : i1 to i32
    %cond3A_28 = arith.constant 0 : i32
    %cond3A_29 = arith.cmpi ne, %convert_element_type3A_27, %cond3A_28 : i32
    scf.if %cond3A_29 {
      "tpu.region"() ({
        %run_scoped3A = tpu.sem_alloc : memref<!tpu.dma_semaphore, #tpu.memory_space<semaphore_mem>>
        %dma_start3A = arith.constant 0 : i32
        %dma_start3A_35 = tpu.memref_slice %arg6[%arg0, %mul3A_2, %dma_start3A] : memref<2x10000x128xf32, #tpu.memory_space<hbm>> -> memref<1x632x128xf32, #tpu.memory_space<hbm>>
        %dma_start3A_36 = tpu.memref_squeeze %dma_start3A_35 : memref<1x632x128xf32, #tpu.memory_space<hbm>> -> memref<632x128xf32, #tpu.memory_space<hbm>>
        %dma_start3A_37 = arith.constant 0 : i32
        %dma_start3A_38 = tpu.memref_slice %arg10[%mul3A_2, %dma_start3A_37] : memref<10000x128xf32, #tpu.memory_space<vmem_shared>> -> memref<632x128xf32, #tpu.memory_space<vmem_shared>>
        tpu.enqueue_dma source(%dma_start3A_38 : memref<632x128xf32, #tpu.memory_space<vmem_shared>>) target(%dma_start3A_36 : memref<632x128xf32, #tpu.memory_space<hbm>>) target_semaphore(%run_scoped3A : memref<!tpu.dma_semaphore, #tpu.memory_space<semaphore_mem>>)
        %dma_wait3A = arith.constant 0 : i32
        %dma_wait3A_39 = tpu.memref_slice %arg6[%arg0, %mul3A_2, %dma_wait3A] : memref<2x10000x128xf32, #tpu.memory_space<hbm>> -> memref<1x632x128xf32, #tpu.memory_space<hbm>>
        %dma_wait3A_40 = tpu.memref_squeeze %dma_wait3A_39 : memref<1x632x128xf32, #tpu.memory_space<hbm>> -> memref<632x128xf32, #tpu.memory_space<hbm>>
        %dma_wait3A_41 = arith.constant 0 : i32
        %dma_wait3A_42 = tpu.memref_slice %arg10[%mul3A_2, %dma_wait3A_41] : memref<10000x128xf32, #tpu.memory_space<vmem_shared>> -> memref<632x128xf32, #tpu.memory_space<vmem_shared>>
        tpu.wait_dma2 semaphore(%run_scoped3A : memref<!tpu.dma_semaphore, #tpu.memory_space<semaphore_mem>>) src(%dma_wait3A_42 : memref<632x128xf32, #tpu.memory_space<vmem_shared>>) dst(%dma_wait3A_40 : memref<632x128xf32, #tpu.memory_space<hbm>>)
        tpu.yield
      }) : () -> ()
    } else {
    }
    %eq3A_30 = arith.constant 15 : i32
    %eq3A_31 = arith.cmpi eq, %arg1, %eq3A_30 : i32
    %convert_element_type3A_32 = arith.extui %eq3A_31 : i1 to i32
    %cond3A_33 = arith.constant 0 : i32
    %cond3A_34 = arith.cmpi ne, %convert_element_type3A_32, %cond3A_33 : i32
    scf.if %cond3A_34 {
      "tpu.region"() ({
        %run_scoped3A = tpu.sem_alloc : memref<!tpu.dma_semaphore, #tpu.memory_space<semaphore_mem>>
        %dma_start3A = arith.constant 0 : i32
        %dma_start3A_35 = tpu.memref_slice %arg6[%arg0, %mul3A_2, %dma_start3A] : memref<2x10000x128xf32, #tpu.memory_space<hbm>> -> memref<1x520x128xf32, #tpu.memory_space<hbm>>
        %dma_start3A_36 = tpu.memref_squeeze %dma_start3A_35 : memref<1x520x128xf32, #tpu.memory_space<hbm>> -> memref<520x128xf32, #tpu.memory_space<hbm>>
        %dma_start3A_37 = arith.constant 0 : i32
        %dma_start3A_38 = tpu.memref_slice %arg10[%mul3A_2, %dma_start3A_37] : memref<10000x128xf32, #tpu.memory_space<vmem_shared>> -> memref<520x128xf32, #tpu.memory_space<vmem_shared>>
        tpu.enqueue_dma source(%dma_start3A_38 : memref<520x128xf32, #tpu.memory_space<vmem_shared>>) target(%dma_start3A_36 : memref<520x128xf32, #tpu.memory_space<hbm>>) target_semaphore(%run_scoped3A : memref<!tpu.dma_semaphore, #tpu.memory_space<semaphore_mem>>)
        %dma_wait3A = arith.constant 0 : i32
        %dma_wait3A_39 = tpu.memref_slice %arg6[%arg0, %mul3A_2, %dma_wait3A] : memref<2x10000x128xf32, #tpu.memory_space<hbm>> -> memref<1x520x128xf32, #tpu.memory_space<hbm>>
        %dma_wait3A_40 = tpu.memref_squeeze %dma_wait3A_39 : memref<1x520x128xf32, #tpu.memory_space<hbm>> -> memref<520x128xf32, #tpu.memory_space<hbm>>
        %dma_wait3A_41 = arith.constant 0 : i32
        %dma_wait3A_42 = tpu.memref_slice %arg10[%mul3A_2, %dma_wait3A_41] : memref<10000x128xf32, #tpu.memory_space<vmem_shared>> -> memref<520x128xf32, #tpu.memory_space<vmem_shared>>
        tpu.wait_dma2 semaphore(%run_scoped3A : memref<!tpu.dma_semaphore, #tpu.memory_space<semaphore_mem>>) src(%dma_wait3A_42 : memref<520x128xf32, #tpu.memory_space<vmem_shared>>) dst(%dma_wait3A_40 : memref<520x128xf32, #tpu.memory_space<hbm>>)
        tpu.yield
      }) : () -> ()
    } else {
    }
    return
  }
}

#map = affine_map<(d0, d1) -> (0, 0)>
#map1 = affine_map<(d0, d1) -> (0)>
#map2 = affine_map<(d0, d1) -> (0, 0, 0)>
module attributes {stable_mosaic.version = 14 : i64} {
  func.func @_sc_aggregate(%arg0: i32, %arg1: i32, %arg2: memref<10000x128xf32, #tpu.memory_space<hbm>>, %arg3: memref<320000xi32, #tpu.memory_space<hbm>>, %arg4: memref<320000xi32, #tpu.memory_space<hbm>>, %arg5: memref<632x128xf32, #tpu.memory_space<hbm>>, %arg6: memref<2x10000x128xf32, #tpu.memory_space<hbm>>, %arg7: memref<320xi32, #tpu.memory_space<vmem>>, %arg8: memref<320xi32, #tpu.memory_space<vmem>>, %arg9: memref<320x128xf32, #tpu.memory_space<vmem>>, %arg10: memref<10000x128xf32, #tpu.memory_space<vmem_shared>>, %arg11: memref<!tpu.dma_semaphore, #tpu.memory_space<semaphore_mem>>) attributes {dimension_semantics = [#tpu.dimension_semantics<core_parallel>, #tpu.dimension_semantics<subcore_parallel>], iteration_bounds = array<i64: 2, 16>, scalar_prefetch = 0 : i64, scratch_operands = 5 : i64, tpu.core_type = #tpu.core_type<sc_vector_subcore>, window_params = [{transform_indices = #map}, {transform_indices = #map1}, {transform_indices = #map1}, {transform_indices = #map}, {transform_indices = #map2}]} {
    %mul3A = arith.constant 2 : i32
    %mul3A_0 = arith.muli %arg1, %mul3A : i32
    %add3A = arith.addi %mul3A_0, %arg0 : i32
    %mul3A_1 = arith.constant 632 : i32
    %mul3A_2 = arith.muli %arg1, %mul3A_1 : i32
    %lt3A = arith.constant 15 : i32
    %lt3A_3 = arith.cmpi slt, %arg1, %lt3A : i32
    %convert_element_type3A = arith.extui %lt3A_3 : i1 to i32
    %cond3A = arith.constant 0 : i32
    %cond3A_4 = arith.cmpi ne, %convert_element_type3A, %cond3A : i32
    scf.if %cond3A_4 {
      "tpu.region"() ({
        %run_scoped3A = tpu.sem_alloc : memref<!tpu.dma_semaphore, #tpu.memory_space<semaphore_mem>>
        %dma_start3A = arith.constant 0 : i32
        %dma_start3A_35 = tpu.memref_slice %arg10[%mul3A_2, %dma_start3A] : memref<10000x128xf32, #tpu.memory_space<vmem_shared>> -> memref<632x128xf32, #tpu.memory_space<vmem_shared>>
        tpu.enqueue_dma source(%arg5 : memref<632x128xf32, #tpu.memory_space<hbm>>) target(%dma_start3A_35 : memref<632x128xf32, #tpu.memory_space<vmem_shared>>) target_semaphore(%run_scoped3A : memref<!tpu.dma_semaphore, #tpu.memory_space<semaphore_mem>>)
        %dma_wait3A = arith.constant 0 : i32
        %dma_wait3A_36 = tpu.memref_slice %arg10[%mul3A_2, %dma_wait3A] : memref<10000x128xf32, #tpu.memory_space<vmem_shared>> -> memref<632x128xf32, #tpu.memory_space<vmem_shared>>
        tpu.wait_dma2 semaphore(%run_scoped3A : memref<!tpu.dma_semaphore, #tpu.memory_space<semaphore_mem>>) src(%arg5 : memref<632x128xf32, #tpu.memory_space<hbm>>) dst(%dma_wait3A_36 : memref<632x128xf32, #tpu.memory_space<vmem_shared>>)
        tpu.yield
      }) : () -> ()
    } else {
    }
    %eq3A = arith.constant 15 : i32
    %eq3A_5 = arith.cmpi eq, %arg1, %eq3A : i32
    %convert_element_type3A_6 = arith.extui %eq3A_5 : i1 to i32
    %cond3A_7 = arith.constant 0 : i32
    %cond3A_8 = arith.cmpi ne, %convert_element_type3A_6, %cond3A_7 : i32
    scf.if %cond3A_8 {
      "tpu.region"() ({
        %run_scoped3A = tpu.sem_alloc : memref<!tpu.dma_semaphore, #tpu.memory_space<semaphore_mem>>
        %dma_start3A = arith.constant 0 : i32
        %dma_start3A_35 = tpu.memref_slice %arg10[%mul3A_2, %dma_start3A] : memref<10000x128xf32, #tpu.memory_space<vmem_shared>> -> memref<520x128xf32, #tpu.memory_space<vmem_shared>>
        %dma_start3A_36 = arith.constant 0 : i32
        %dma_start3A_37 = arith.constant 0 : i32
        %dma_start3A_38 = tpu.memref_slice %arg5[%dma_start3A_36, %dma_start3A_37] : memref<632x128xf32, #tpu.memory_space<hbm>> -> memref<520x128xf32, #tpu.memory_space<hbm>>
        tpu.enqueue_dma source(%dma_start3A_38 : memref<520x128xf32, #tpu.memory_space<hbm>>) target(%dma_start3A_35 : memref<520x128xf32, #tpu.memory_space<vmem_shared>>) target_semaphore(%run_scoped3A : memref<!tpu.dma_semaphore, #tpu.memory_space<semaphore_mem>>)
        %dma_wait3A = arith.constant 0 : i32
        %dma_wait3A_39 = tpu.memref_slice %arg10[%mul3A_2, %dma_wait3A] : memref<10000x128xf32, #tpu.memory_space<vmem_shared>> -> memref<520x128xf32, #tpu.memory_space<vmem_shared>>
        %dma_wait3A_40 = arith.constant 0 : i32
        %dma_wait3A_41 = arith.constant 0 : i32
        %dma_wait3A_42 = tpu.memref_slice %arg5[%dma_wait3A_40, %dma_wait3A_41] : memref<632x128xf32, #tpu.memory_space<hbm>> -> memref<520x128xf32, #tpu.memory_space<hbm>>
        tpu.wait_dma2 semaphore(%run_scoped3A : memref<!tpu.dma_semaphore, #tpu.memory_space<semaphore_mem>>) src(%dma_wait3A_42 : memref<520x128xf32, #tpu.memory_space<hbm>>) dst(%dma_wait3A_39 : memref<520x128xf32, #tpu.memory_space<vmem_shared>>)
        tpu.yield
      }) : () -> ()
    } else {
    }
    %barrier3A = arith.constant 0 : index
    tpu.barrier barrier_id(%barrier3A)
    %sub3A = arith.constant 1000 : i32
    %sub3A_9 = arith.subi %sub3A, %add3A : i32
    %sub3A_10 = arith.constant 32 : i32
    %sub3A_11 = arith.constant 1 : i32
    %sub3A_12 = arith.subi %sub3A_10, %sub3A_11 : i32
    %add3A_13 = arith.addi %sub3A_9, %sub3A_12 : i32
    %div3A = arith.constant 32 : i32
    %div3A_14 = arith.divsi %add3A_13, %div3A : i32
    %while3A = arith.constant 32 : i32
    %while3A_15 = arith.constant 0 : i32
    %while3A_16 = arith.subi %div3A_14, %while3A_15 : i32
    %while3A_17 = arith.addi %while3A_15, %while3A_16 : i32
    %while3A_18 = arith.constant 1 : i32
    %while3A_19 = arith.divsi %while3A_16, %while3A_18 : i32
    %while3A_20 = arith.muli %while3A_19, %while3A_18 : i32
    %while3A_21 = arith.addi %while3A_15, %while3A_20 : i32
    %while3A_22 = arith.constant 1 : i32
    scf.for %while3A_35 = %while3A_15 to %while3A_21 step %while3A_22  : i32 {
      %mul3A_36 = arith.muli %while3A_35, %while3A : i32
      %add3A_37 = arith.addi %add3A, %mul3A_36 : i32
      %mul3A_38 = arith.constant 320 : i32
      %mul3A_39 = arith.muli %add3A_37, %mul3A_38 : i32
      "tpu.region"() ({
        %run_scoped3A = tpu.sem_alloc : memref<!tpu.dma_semaphore, #tpu.memory_space<semaphore_mem>>
        %dma_start3A_46 = tpu.memref_slice %arg3[%mul3A_39] : memref<320000xi32, #tpu.memory_space<hbm>> -> memref<320xi32, #tpu.memory_space<hbm>>
        %dma_start3A_47 = tpu.memref_slice %arg3[%mul3A_39] : memref<320000xi32, #tpu.memory_space<hbm>> -> memref<320xi32, #tpu.memory_space<hbm>>
        tpu.enqueue_dma source(%dma_start3A_47 : memref<320xi32, #tpu.memory_space<hbm>>) target(%arg7 : memref<320xi32, #tpu.memory_space<vmem>>) target_semaphore(%run_scoped3A : memref<!tpu.dma_semaphore, #tpu.memory_space<semaphore_mem>>)
        %dma_wait3A_48 = tpu.memref_slice %arg3[%mul3A_39] : memref<320000xi32, #tpu.memory_space<hbm>> -> memref<320xi32, #tpu.memory_space<hbm>>
        %dma_wait3A_49 = tpu.memref_slice %arg3[%mul3A_39] : memref<320000xi32, #tpu.memory_space<hbm>> -> memref<320xi32, #tpu.memory_space<hbm>>
        tpu.wait_dma2 semaphore(%run_scoped3A : memref<!tpu.dma_semaphore, #tpu.memory_space<semaphore_mem>>) src(%dma_wait3A_49 : memref<320xi32, #tpu.memory_space<hbm>>) dst(%arg7 : memref<320xi32, #tpu.memory_space<vmem>>)
        tpu.yield
      }) : () -> ()
      %mul3A_40 = arith.constant 320 : i32
      %mul3A_41 = arith.muli %add3A_37, %mul3A_40 : i32
      "tpu.region"() ({
        %run_scoped3A = tpu.sem_alloc : memref<!tpu.dma_semaphore, #tpu.memory_space<semaphore_mem>>
        %dma_start3A_46 = tpu.memref_slice %arg4[%mul3A_41] : memref<320000xi32, #tpu.memory_space<hbm>> -> memref<320xi32, #tpu.memory_space<hbm>>
        %dma_start3A_47 = tpu.memref_slice %arg4[%mul3A_41] : memref<320000xi32, #tpu.memory_space<hbm>> -> memref<320xi32, #tpu.memory_space<hbm>>
        tpu.enqueue_dma source(%dma_start3A_47 : memref<320xi32, #tpu.memory_space<hbm>>) target(%arg8 : memref<320xi32, #tpu.memory_space<vmem>>) target_semaphore(%run_scoped3A : memref<!tpu.dma_semaphore, #tpu.memory_space<semaphore_mem>>)
        %dma_wait3A_48 = tpu.memref_slice %arg4[%mul3A_41] : memref<320000xi32, #tpu.memory_space<hbm>> -> memref<320xi32, #tpu.memory_space<hbm>>
        %dma_wait3A_49 = tpu.memref_slice %arg4[%mul3A_41] : memref<320000xi32, #tpu.memory_space<hbm>> -> memref<320xi32, #tpu.memory_space<hbm>>
        tpu.wait_dma2 semaphore(%run_scoped3A : memref<!tpu.dma_semaphore, #tpu.memory_space<semaphore_mem>>) src(%dma_wait3A_49 : memref<320xi32, #tpu.memory_space<hbm>>) dst(%arg8 : memref<320xi32, #tpu.memory_space<vmem>>)
        tpu.yield
      }) : () -> ()
      %dma_start3A = arith.constant 0 : i32
      %dma_start3A_42 = arith.constant 0 : i32
      %dma_start3A_43 = tpu.memref_slice %arg2[%dma_start3A, %dma_start3A_42] : memref<10000x128xf32, #tpu.memory_space<hbm>> -> memref<10000x128xf32, #tpu.memory_space<hbm>>
      tpu.enqueue_indirect_dma source(%dma_start3A_43 : memref<10000x128xf32, #tpu.memory_space<hbm>>) target(%arg9 : memref<320x128xf32, #tpu.memory_space<vmem>>) offsets(%arg7 : memref<320xi32, #tpu.memory_space<vmem>>) semaphore(%arg11 : memref<!tpu.dma_semaphore, #tpu.memory_space<semaphore_mem>>)
      %dma_wait3A = arith.constant 0 : i32
      %dma_wait3A_44 = arith.constant 0 : i32
      %dma_wait3A_45 = tpu.memref_slice %arg2[%dma_wait3A, %dma_wait3A_44] : memref<10000x128xf32, #tpu.memory_space<hbm>> -> memref<10000x128xf32, #tpu.memory_space<hbm>>
      tpu.wait_indirect_dma semaphore(%arg11 : memref<!tpu.dma_semaphore, #tpu.memory_space<semaphore_mem>>) src(%dma_wait3A_45 : memref<10000x128xf32, #tpu.memory_space<hbm>>) dst(%arg9 : memref<320x128xf32, #tpu.memory_space<vmem>>)
      "tpu.region"() ({
        %run_scoped3A = tpu.sem_alloc : memref<!tpu.dma_semaphore, #tpu.memory_space<semaphore_mem>>
        %dma_start3A_46 = arith.constant 0 : i32
        %dma_start3A_47 = arith.constant 0 : i32
        %dma_start3A_48 = tpu.memref_slice %arg10[%dma_start3A_46, %dma_start3A_47] : memref<10000x128xf32, #tpu.memory_space<vmem_shared>> -> memref<10000x128xf32, #tpu.memory_space<vmem_shared>>
        tpu.enqueue_indirect_dma source(%arg9 : memref<320x128xf32, #tpu.memory_space<vmem>>) target(%dma_start3A_48 : memref<10000x128xf32, #tpu.memory_space<vmem_shared>>) offsets(%arg8 : memref<320xi32, #tpu.memory_space<vmem>>) semaphore(%run_scoped3A : memref<!tpu.dma_semaphore, #tpu.memory_space<semaphore_mem>>) {add = true}
        %dma_wait3A_49 = arith.constant 0 : i32
        %dma_wait3A_50 = arith.constant 0 : i32
        %dma_wait3A_51 = tpu.memref_slice %arg10[%dma_wait3A_49, %dma_wait3A_50] : memref<10000x128xf32, #tpu.memory_space<vmem_shared>> -> memref<10000x128xf32, #tpu.memory_space<vmem_shared>>
        tpu.wait_indirect_dma semaphore(%run_scoped3A : memref<!tpu.dma_semaphore, #tpu.memory_space<semaphore_mem>>) src(%arg9 : memref<320x128xf32, #tpu.memory_space<vmem>>) dst(%dma_wait3A_51 : memref<10000x128xf32, #tpu.memory_space<vmem_shared>>)
        tpu.yield
      }) : () -> ()
    }
    %while3A_23 = arith.constant 1 : i32
    scf.for %while3A_35 = %while3A_21 to %while3A_17 step %while3A_23  : i32 {
      %mul3A_36 = arith.muli %while3A_35, %while3A : i32
      %add3A_37 = arith.addi %add3A, %mul3A_36 : i32
      %mul3A_38 = arith.constant 320 : i32
      %mul3A_39 = arith.muli %add3A_37, %mul3A_38 : i32
      "tpu.region"() ({
        %run_scoped3A = tpu.sem_alloc : memref<!tpu.dma_semaphore, #tpu.memory_space<semaphore_mem>>
        %dma_start3A_46 = tpu.memref_slice %arg3[%mul3A_39] : memref<320000xi32, #tpu.memory_space<hbm>> -> memref<320xi32, #tpu.memory_space<hbm>>
        %dma_start3A_47 = tpu.memref_slice %arg3[%mul3A_39] : memref<320000xi32, #tpu.memory_space<hbm>> -> memref<320xi32, #tpu.memory_space<hbm>>
        tpu.enqueue_dma source(%dma_start3A_47 : memref<320xi32, #tpu.memory_space<hbm>>) target(%arg7 : memref<320xi32, #tpu.memory_space<vmem>>) target_semaphore(%run_scoped3A : memref<!tpu.dma_semaphore, #tpu.memory_space<semaphore_mem>>)
        %dma_wait3A_48 = tpu.memref_slice %arg3[%mul3A_39] : memref<320000xi32, #tpu.memory_space<hbm>> -> memref<320xi32, #tpu.memory_space<hbm>>
        %dma_wait3A_49 = tpu.memref_slice %arg3[%mul3A_39] : memref<320000xi32, #tpu.memory_space<hbm>> -> memref<320xi32, #tpu.memory_space<hbm>>
        tpu.wait_dma2 semaphore(%run_scoped3A : memref<!tpu.dma_semaphore, #tpu.memory_space<semaphore_mem>>) src(%dma_wait3A_49 : memref<320xi32, #tpu.memory_space<hbm>>) dst(%arg7 : memref<320xi32, #tpu.memory_space<vmem>>)
        tpu.yield
      }) : () -> ()
      %mul3A_40 = arith.constant 320 : i32
      %mul3A_41 = arith.muli %add3A_37, %mul3A_40 : i32
      "tpu.region"() ({
        %run_scoped3A = tpu.sem_alloc : memref<!tpu.dma_semaphore, #tpu.memory_space<semaphore_mem>>
        %dma_start3A_46 = tpu.memref_slice %arg4[%mul3A_41] : memref<320000xi32, #tpu.memory_space<hbm>> -> memref<320xi32, #tpu.memory_space<hbm>>
        %dma_start3A_47 = tpu.memref_slice %arg4[%mul3A_41] : memref<320000xi32, #tpu.memory_space<hbm>> -> memref<320xi32, #tpu.memory_space<hbm>>
        tpu.enqueue_dma source(%dma_start3A_47 : memref<320xi32, #tpu.memory_space<hbm>>) target(%arg8 : memref<320xi32, #tpu.memory_space<vmem>>) target_semaphore(%run_scoped3A : memref<!tpu.dma_semaphore, #tpu.memory_space<semaphore_mem>>)
        %dma_wait3A_48 = tpu.memref_slice %arg4[%mul3A_41] : memref<320000xi32, #tpu.memory_space<hbm>> -> memref<320xi32, #tpu.memory_space<hbm>>
        %dma_wait3A_49 = tpu.memref_slice %arg4[%mul3A_41] : memref<320000xi32, #tpu.memory_space<hbm>> -> memref<320xi32, #tpu.memory_space<hbm>>
        tpu.wait_dma2 semaphore(%run_scoped3A : memref<!tpu.dma_semaphore, #tpu.memory_space<semaphore_mem>>) src(%dma_wait3A_49 : memref<320xi32, #tpu.memory_space<hbm>>) dst(%arg8 : memref<320xi32, #tpu.memory_space<vmem>>)
        tpu.yield
      }) : () -> ()
      %dma_start3A = arith.constant 0 : i32
      %dma_start3A_42 = arith.constant 0 : i32
      %dma_start3A_43 = tpu.memref_slice %arg2[%dma_start3A, %dma_start3A_42] : memref<10000x128xf32, #tpu.memory_space<hbm>> -> memref<10000x128xf32, #tpu.memory_space<hbm>>
      tpu.enqueue_indirect_dma source(%dma_start3A_43 : memref<10000x128xf32, #tpu.memory_space<hbm>>) target(%arg9 : memref<320x128xf32, #tpu.memory_space<vmem>>) offsets(%arg7 : memref<320xi32, #tpu.memory_space<vmem>>) semaphore(%arg11 : memref<!tpu.dma_semaphore, #tpu.memory_space<semaphore_mem>>)
      %dma_wait3A = arith.constant 0 : i32
      %dma_wait3A_44 = arith.constant 0 : i32
      %dma_wait3A_45 = tpu.memref_slice %arg2[%dma_wait3A, %dma_wait3A_44] : memref<10000x128xf32, #tpu.memory_space<hbm>> -> memref<10000x128xf32, #tpu.memory_space<hbm>>
      tpu.wait_indirect_dma semaphore(%arg11 : memref<!tpu.dma_semaphore, #tpu.memory_space<semaphore_mem>>) src(%dma_wait3A_45 : memref<10000x128xf32, #tpu.memory_space<hbm>>) dst(%arg9 : memref<320x128xf32, #tpu.memory_space<vmem>>)
      "tpu.region"() ({
        %run_scoped3A = tpu.sem_alloc : memref<!tpu.dma_semaphore, #tpu.memory_space<semaphore_mem>>
        %dma_start3A_46 = arith.constant 0 : i32
        %dma_start3A_47 = arith.constant 0 : i32
        %dma_start3A_48 = tpu.memref_slice %arg10[%dma_start3A_46, %dma_start3A_47] : memref<10000x128xf32, #tpu.memory_space<vmem_shared>> -> memref<10000x128xf32, #tpu.memory_space<vmem_shared>>
        tpu.enqueue_indirect_dma source(%arg9 : memref<320x128xf32, #tpu.memory_space<vmem>>) target(%dma_start3A_48 : memref<10000x128xf32, #tpu.memory_space<vmem_shared>>) offsets(%arg8 : memref<320xi32, #tpu.memory_space<vmem>>) semaphore(%run_scoped3A : memref<!tpu.dma_semaphore, #tpu.memory_space<semaphore_mem>>) {add = true}
        %dma_wait3A_49 = arith.constant 0 : i32
        %dma_wait3A_50 = arith.constant 0 : i32
        %dma_wait3A_51 = tpu.memref_slice %arg10[%dma_wait3A_49, %dma_wait3A_50] : memref<10000x128xf32, #tpu.memory_space<vmem_shared>> -> memref<10000x128xf32, #tpu.memory_space<vmem_shared>>
        tpu.wait_indirect_dma semaphore(%run_scoped3A : memref<!tpu.dma_semaphore, #tpu.memory_space<semaphore_mem>>) src(%arg9 : memref<320x128xf32, #tpu.memory_space<vmem>>) dst(%dma_wait3A_51 : memref<10000x128xf32, #tpu.memory_space<vmem_shared>>)
        tpu.yield
      }) : () -> ()
    }
    %barrier3A_24 = arith.constant 0 : index
    tpu.barrier barrier_id(%barrier3A_24)
    %lt3A_25 = arith.constant 15 : i32
    %lt3A_26 = arith.cmpi slt, %arg1, %lt3A_25 : i32
    %convert_element_type3A_27 = arith.extui %lt3A_26 : i1 to i32
    %cond3A_28 = arith.constant 0 : i32
    %cond3A_29 = arith.cmpi ne, %convert_element_type3A_27, %cond3A_28 : i32
    scf.if %cond3A_29 {
      "tpu.region"() ({
        %run_scoped3A = tpu.sem_alloc : memref<!tpu.dma_semaphore, #tpu.memory_space<semaphore_mem>>
        %dma_start3A = arith.constant 0 : i32
        %dma_start3A_35 = tpu.memref_slice %arg6[%arg0, %mul3A_2, %dma_start3A] : memref<2x10000x128xf32, #tpu.memory_space<hbm>> -> memref<1x632x128xf32, #tpu.memory_space<hbm>>
        %dma_start3A_36 = tpu.memref_squeeze %dma_start3A_35 : memref<1x632x128xf32, #tpu.memory_space<hbm>> -> memref<632x128xf32, #tpu.memory_space<hbm>>
        %dma_start3A_37 = arith.constant 0 : i32
        %dma_start3A_38 = tpu.memref_slice %arg10[%mul3A_2, %dma_start3A_37] : memref<10000x128xf32, #tpu.memory_space<vmem_shared>> -> memref<632x128xf32, #tpu.memory_space<vmem_shared>>
        tpu.enqueue_dma source(%dma_start3A_38 : memref<632x128xf32, #tpu.memory_space<vmem_shared>>) target(%dma_start3A_36 : memref<632x128xf32, #tpu.memory_space<hbm>>) target_semaphore(%run_scoped3A : memref<!tpu.dma_semaphore, #tpu.memory_space<semaphore_mem>>)
        %dma_wait3A = arith.constant 0 : i32
        %dma_wait3A_39 = tpu.memref_slice %arg6[%arg0, %mul3A_2, %dma_wait3A] : memref<2x10000x128xf32, #tpu.memory_space<hbm>> -> memref<1x632x128xf32, #tpu.memory_space<hbm>>
        %dma_wait3A_40 = tpu.memref_squeeze %dma_wait3A_39 : memref<1x632x128xf32, #tpu.memory_space<hbm>> -> memref<632x128xf32, #tpu.memory_space<hbm>>
        %dma_wait3A_41 = arith.constant 0 : i32
        %dma_wait3A_42 = tpu.memref_slice %arg10[%mul3A_2, %dma_wait3A_41] : memref<10000x128xf32, #tpu.memory_space<vmem_shared>> -> memref<632x128xf32, #tpu.memory_space<vmem_shared>>
        tpu.wait_dma2 semaphore(%run_scoped3A : memref<!tpu.dma_semaphore, #tpu.memory_space<semaphore_mem>>) src(%dma_wait3A_42 : memref<632x128xf32, #tpu.memory_space<vmem_shared>>) dst(%dma_wait3A_40 : memref<632x128xf32, #tpu.memory_space<hbm>>)
        tpu.yield
      }) : () -> ()
    } else {
    }
    %eq3A_30 = arith.constant 15 : i32
    %eq3A_31 = arith.cmpi eq, %arg1, %eq3A_30 : i32
    %convert_element_type3A_32 = arith.extui %eq3A_31 : i1 to i32
    %cond3A_33 = arith.constant 0 : i32
    %cond3A_34 = arith.cmpi ne, %convert_element_type3A_32, %cond3A_33 : i32
    scf.if %cond3A_34 {
      "tpu.region"() ({
        %run_scoped3A = tpu.sem_alloc : memref<!tpu.dma_semaphore, #tpu.memory_space<semaphore_mem>>
        %dma_start3A = arith.constant 0 : i32
        %dma_start3A_35 = tpu.memref_slice %arg6[%arg0, %mul3A_2, %dma_start3A] : memref<2x10000x128xf32, #tpu.memory_space<hbm>> -> memref<1x520x128xf32, #tpu.memory_space<hbm>>
        %dma_start3A_36 = tpu.memref_squeeze %dma_start3A_35 : memref<1x520x128xf32, #tpu.memory_space<hbm>> -> memref<520x128xf32, #tpu.memory_space<hbm>>
        %dma_start3A_37 = arith.constant 0 : i32
        %dma_start3A_38 = tpu.memref_slice %arg10[%mul3A_2, %dma_start3A_37] : memref<10000x128xf32, #tpu.memory_space<vmem_shared>> -> memref<520x128xf32, #tpu.memory_space<vmem_shared>>
        tpu.enqueue_dma source(%dma_start3A_38 : memref<520x128xf32, #tpu.memory_space<vmem_shared>>) target(%dma_start3A_36 : memref<520x128xf32, #tpu.memory_space<hbm>>) target_semaphore(%run_scoped3A : memref<!tpu.dma_semaphore, #tpu.memory_space<semaphore_mem>>)
        %dma_wait3A = arith.constant 0 : i32
        %dma_wait3A_39 = tpu.memref_slice %arg6[%arg0, %mul3A_2, %dma_wait3A] : memref<2x10000x128xf32, #tpu.memory_space<hbm>> -> memref<1x520x128xf32, #tpu.memory_space<hbm>>
        %dma_wait3A_40 = tpu.memref_squeeze %dma_wait3A_39 : memref<1x520x128xf32, #tpu.memory_space<hbm>> -> memref<520x128xf32, #tpu.memory_space<hbm>>
        %dma_wait3A_41 = arith.constant 0 : i32
        %dma_wait3A_42 = tpu.memref_slice %arg10[%mul3A_2, %dma_wait3A_41] : memref<10000x128xf32, #tpu.memory_space<vmem_shared>> -> memref<520x128xf32, #tpu.memory_space<vmem_shared>>
        tpu.wait_dma2 semaphore(%run_scoped3A : memref<!tpu.dma_semaphore, #tpu.memory_space<semaphore_mem>>) src(%dma_wait3A_42 : memref<520x128xf32, #tpu.memory_space<vmem_shared>>) dst(%dma_wait3A_40 : memref<520x128xf32, #tpu.memory_space<hbm>>)
        tpu.yield
      }) : () -> ()
    } else {
    }
    return
  }
}

#map = affine_map<(d0, d1) -> (0, 0)>
#map1 = affine_map<(d0, d1) -> (0)>
#map2 = affine_map<(d0, d1) -> (0, 0, 0)>
module attributes {stable_mosaic.version = 14 : i64} {
  func.func @_sc_aggregate(%arg0: i32, %arg1: i32, %arg2: memref<10000x128xf32, #tpu.memory_space<hbm>>, %arg3: memref<320000xi32, #tpu.memory_space<hbm>>, %arg4: memref<320000xi32, #tpu.memory_space<hbm>>, %arg5: memref<632x128xf32, #tpu.memory_space<hbm>>, %arg6: memref<2x10000x128xf32, #tpu.memory_space<hbm>>, %arg7: memref<320xi32, #tpu.memory_space<vmem>>, %arg8: memref<320xi32, #tpu.memory_space<vmem>>, %arg9: memref<320x128xf32, #tpu.memory_space<vmem>>, %arg10: memref<10000x128xf32, #tpu.memory_space<vmem_shared>>, %arg11: memref<!tpu.dma_semaphore, #tpu.memory_space<semaphore_mem>>) attributes {dimension_semantics = [#tpu.dimension_semantics<core_parallel>, #tpu.dimension_semantics<subcore_parallel>], iteration_bounds = array<i64: 2, 16>, scalar_prefetch = 0 : i64, scratch_operands = 5 : i64, tpu.core_type = #tpu.core_type<sc_vector_subcore>, window_params = [{transform_indices = #map}, {transform_indices = #map1}, {transform_indices = #map1}, {transform_indices = #map}, {transform_indices = #map2}]} {
    %mul3A = arith.constant 2 : i32
    %mul3A_0 = arith.muli %arg1, %mul3A : i32
    %add3A = arith.addi %mul3A_0, %arg0 : i32
    %mul3A_1 = arith.constant 632 : i32
    %mul3A_2 = arith.muli %arg1, %mul3A_1 : i32
    %lt3A = arith.constant 15 : i32
    %lt3A_3 = arith.cmpi slt, %arg1, %lt3A : i32
    %convert_element_type3A = arith.extui %lt3A_3 : i1 to i32
    %cond3A = arith.constant 0 : i32
    %cond3A_4 = arith.cmpi ne, %convert_element_type3A, %cond3A : i32
    scf.if %cond3A_4 {
      "tpu.region"() ({
        %run_scoped3A = tpu.sem_alloc : memref<!tpu.dma_semaphore, #tpu.memory_space<semaphore_mem>>
        %dma_start3A = arith.constant 0 : i32
        %dma_start3A_35 = tpu.memref_slice %arg10[%mul3A_2, %dma_start3A] : memref<10000x128xf32, #tpu.memory_space<vmem_shared>> -> memref<632x128xf32, #tpu.memory_space<vmem_shared>>
        tpu.enqueue_dma source(%arg5 : memref<632x128xf32, #tpu.memory_space<hbm>>) target(%dma_start3A_35 : memref<632x128xf32, #tpu.memory_space<vmem_shared>>) target_semaphore(%run_scoped3A : memref<!tpu.dma_semaphore, #tpu.memory_space<semaphore_mem>>)
        %dma_wait3A = arith.constant 0 : i32
        %dma_wait3A_36 = tpu.memref_slice %arg10[%mul3A_2, %dma_wait3A] : memref<10000x128xf32, #tpu.memory_space<vmem_shared>> -> memref<632x128xf32, #tpu.memory_space<vmem_shared>>
        tpu.wait_dma2 semaphore(%run_scoped3A : memref<!tpu.dma_semaphore, #tpu.memory_space<semaphore_mem>>) src(%arg5 : memref<632x128xf32, #tpu.memory_space<hbm>>) dst(%dma_wait3A_36 : memref<632x128xf32, #tpu.memory_space<vmem_shared>>)
        tpu.yield
      }) : () -> ()
    } else {
    }
    %eq3A = arith.constant 15 : i32
    %eq3A_5 = arith.cmpi eq, %arg1, %eq3A : i32
    %convert_element_type3A_6 = arith.extui %eq3A_5 : i1 to i32
    %cond3A_7 = arith.constant 0 : i32
    %cond3A_8 = arith.cmpi ne, %convert_element_type3A_6, %cond3A_7 : i32
    scf.if %cond3A_8 {
      "tpu.region"() ({
        %run_scoped3A = tpu.sem_alloc : memref<!tpu.dma_semaphore, #tpu.memory_space<semaphore_mem>>
        %dma_start3A = arith.constant 0 : i32
        %dma_start3A_35 = tpu.memref_slice %arg10[%mul3A_2, %dma_start3A] : memref<10000x128xf32, #tpu.memory_space<vmem_shared>> -> memref<520x128xf32, #tpu.memory_space<vmem_shared>>
        %dma_start3A_36 = arith.constant 0 : i32
        %dma_start3A_37 = arith.constant 0 : i32
        %dma_start3A_38 = tpu.memref_slice %arg5[%dma_start3A_36, %dma_start3A_37] : memref<632x128xf32, #tpu.memory_space<hbm>> -> memref<520x128xf32, #tpu.memory_space<hbm>>
        tpu.enqueue_dma source(%dma_start3A_38 : memref<520x128xf32, #tpu.memory_space<hbm>>) target(%dma_start3A_35 : memref<520x128xf32, #tpu.memory_space<vmem_shared>>) target_semaphore(%run_scoped3A : memref<!tpu.dma_semaphore, #tpu.memory_space<semaphore_mem>>)
        %dma_wait3A = arith.constant 0 : i32
        %dma_wait3A_39 = tpu.memref_slice %arg10[%mul3A_2, %dma_wait3A] : memref<10000x128xf32, #tpu.memory_space<vmem_shared>> -> memref<520x128xf32, #tpu.memory_space<vmem_shared>>
        %dma_wait3A_40 = arith.constant 0 : i32
        %dma_wait3A_41 = arith.constant 0 : i32
        %dma_wait3A_42 = tpu.memref_slice %arg5[%dma_wait3A_40, %dma_wait3A_41] : memref<632x128xf32, #tpu.memory_space<hbm>> -> memref<520x128xf32, #tpu.memory_space<hbm>>
        tpu.wait_dma2 semaphore(%run_scoped3A : memref<!tpu.dma_semaphore, #tpu.memory_space<semaphore_mem>>) src(%dma_wait3A_42 : memref<520x128xf32, #tpu.memory_space<hbm>>) dst(%dma_wait3A_39 : memref<520x128xf32, #tpu.memory_space<vmem_shared>>)
        tpu.yield
      }) : () -> ()
    } else {
    }
    %barrier3A = arith.constant 0 : index
    tpu.barrier barrier_id(%barrier3A)
    %sub3A = arith.constant 1000 : i32
    %sub3A_9 = arith.subi %sub3A, %add3A : i32
    %sub3A_10 = arith.constant 32 : i32
    %sub3A_11 = arith.constant 1 : i32
    %sub3A_12 = arith.subi %sub3A_10, %sub3A_11 : i32
    %add3A_13 = arith.addi %sub3A_9, %sub3A_12 : i32
    %div3A = arith.constant 32 : i32
    %div3A_14 = arith.divsi %add3A_13, %div3A : i32
    %while3A = arith.constant 32 : i32
    %while3A_15 = arith.constant 0 : i32
    %while3A_16 = arith.subi %div3A_14, %while3A_15 : i32
    %while3A_17 = arith.addi %while3A_15, %while3A_16 : i32
    %while3A_18 = arith.constant 1 : i32
    %while3A_19 = arith.divsi %while3A_16, %while3A_18 : i32
    %while3A_20 = arith.muli %while3A_19, %while3A_18 : i32
    %while3A_21 = arith.addi %while3A_15, %while3A_20 : i32
    %while3A_22 = arith.constant 1 : i32
    scf.for %while3A_35 = %while3A_15 to %while3A_21 step %while3A_22  : i32 {
      %mul3A_36 = arith.muli %while3A_35, %while3A : i32
      %add3A_37 = arith.addi %add3A, %mul3A_36 : i32
      %mul3A_38 = arith.constant 320 : i32
      %mul3A_39 = arith.muli %add3A_37, %mul3A_38 : i32
      "tpu.region"() ({
        %run_scoped3A = tpu.sem_alloc : memref<!tpu.dma_semaphore, #tpu.memory_space<semaphore_mem>>
        %dma_start3A_46 = tpu.memref_slice %arg3[%mul3A_39] : memref<320000xi32, #tpu.memory_space<hbm>> -> memref<320xi32, #tpu.memory_space<hbm>>
        %dma_start3A_47 = tpu.memref_slice %arg3[%mul3A_39] : memref<320000xi32, #tpu.memory_space<hbm>> -> memref<320xi32, #tpu.memory_space<hbm>>
        tpu.enqueue_dma source(%dma_start3A_47 : memref<320xi32, #tpu.memory_space<hbm>>) target(%arg7 : memref<320xi32, #tpu.memory_space<vmem>>) target_semaphore(%run_scoped3A : memref<!tpu.dma_semaphore, #tpu.memory_space<semaphore_mem>>)
        %dma_wait3A_48 = tpu.memref_slice %arg3[%mul3A_39] : memref<320000xi32, #tpu.memory_space<hbm>> -> memref<320xi32, #tpu.memory_space<hbm>>
        %dma_wait3A_49 = tpu.memref_slice %arg3[%mul3A_39] : memref<320000xi32, #tpu.memory_space<hbm>> -> memref<320xi32, #tpu.memory_space<hbm>>
        tpu.wait_dma2 semaphore(%run_scoped3A : memref<!tpu.dma_semaphore, #tpu.memory_space<semaphore_mem>>) src(%dma_wait3A_49 : memref<320xi32, #tpu.memory_space<hbm>>) dst(%arg7 : memref<320xi32, #tpu.memory_space<vmem>>)
        tpu.yield
      }) : () -> ()
      %mul3A_40 = arith.constant 320 : i32
      %mul3A_41 = arith.muli %add3A_37, %mul3A_40 : i32
      "tpu.region"() ({
        %run_scoped3A = tpu.sem_alloc : memref<!tpu.dma_semaphore, #tpu.memory_space<semaphore_mem>>
        %dma_start3A_46 = tpu.memref_slice %arg4[%mul3A_41] : memref<320000xi32, #tpu.memory_space<hbm>> -> memref<320xi32, #tpu.memory_space<hbm>>
        %dma_start3A_47 = tpu.memref_slice %arg4[%mul3A_41] : memref<320000xi32, #tpu.memory_space<hbm>> -> memref<320xi32, #tpu.memory_space<hbm>>
        tpu.enqueue_dma source(%dma_start3A_47 : memref<320xi32, #tpu.memory_space<hbm>>) target(%arg8 : memref<320xi32, #tpu.memory_space<vmem>>) target_semaphore(%run_scoped3A : memref<!tpu.dma_semaphore, #tpu.memory_space<semaphore_mem>>)
        %dma_wait3A_48 = tpu.memref_slice %arg4[%mul3A_41] : memref<320000xi32, #tpu.memory_space<hbm>> -> memref<320xi32, #tpu.memory_space<hbm>>
        %dma_wait3A_49 = tpu.memref_slice %arg4[%mul3A_41] : memref<320000xi32, #tpu.memory_space<hbm>> -> memref<320xi32, #tpu.memory_space<hbm>>
        tpu.wait_dma2 semaphore(%run_scoped3A : memref<!tpu.dma_semaphore, #tpu.memory_space<semaphore_mem>>) src(%dma_wait3A_49 : memref<320xi32, #tpu.memory_space<hbm>>) dst(%arg8 : memref<320xi32, #tpu.memory_space<vmem>>)
        tpu.yield
      }) : () -> ()
      %dma_start3A = arith.constant 0 : i32
      %dma_start3A_42 = arith.constant 0 : i32
      %dma_start3A_43 = tpu.memref_slice %arg2[%dma_start3A, %dma_start3A_42] : memref<10000x128xf32, #tpu.memory_space<hbm>> -> memref<10000x128xf32, #tpu.memory_space<hbm>>
      tpu.enqueue_indirect_dma source(%dma_start3A_43 : memref<10000x128xf32, #tpu.memory_space<hbm>>) target(%arg9 : memref<320x128xf32, #tpu.memory_space<vmem>>) offsets(%arg7 : memref<320xi32, #tpu.memory_space<vmem>>) semaphore(%arg11 : memref<!tpu.dma_semaphore, #tpu.memory_space<semaphore_mem>>)
      %dma_wait3A = arith.constant 0 : i32
      %dma_wait3A_44 = arith.constant 0 : i32
      %dma_wait3A_45 = tpu.memref_slice %arg2[%dma_wait3A, %dma_wait3A_44] : memref<10000x128xf32, #tpu.memory_space<hbm>> -> memref<10000x128xf32, #tpu.memory_space<hbm>>
      tpu.wait_indirect_dma semaphore(%arg11 : memref<!tpu.dma_semaphore, #tpu.memory_space<semaphore_mem>>) src(%dma_wait3A_45 : memref<10000x128xf32, #tpu.memory_space<hbm>>) dst(%arg9 : memref<320x128xf32, #tpu.memory_space<vmem>>)
      "tpu.region"() ({
        %run_scoped3A = tpu.sem_alloc : memref<!tpu.dma_semaphore, #tpu.memory_space<semaphore_mem>>
        %dma_start3A_46 = arith.constant 0 : i32
        %dma_start3A_47 = arith.constant 0 : i32
        %dma_start3A_48 = tpu.memref_slice %arg10[%dma_start3A_46, %dma_start3A_47] : memref<10000x128xf32, #tpu.memory_space<vmem_shared>> -> memref<10000x128xf32, #tpu.memory_space<vmem_shared>>
        tpu.enqueue_indirect_dma source(%arg9 : memref<320x128xf32, #tpu.memory_space<vmem>>) target(%dma_start3A_48 : memref<10000x128xf32, #tpu.memory_space<vmem_shared>>) offsets(%arg8 : memref<320xi32, #tpu.memory_space<vmem>>) semaphore(%run_scoped3A : memref<!tpu.dma_semaphore, #tpu.memory_space<semaphore_mem>>) {add = true}
        %dma_wait3A_49 = arith.constant 0 : i32
        %dma_wait3A_50 = arith.constant 0 : i32
        %dma_wait3A_51 = tpu.memref_slice %arg10[%dma_wait3A_49, %dma_wait3A_50] : memref<10000x128xf32, #tpu.memory_space<vmem_shared>> -> memref<10000x128xf32, #tpu.memory_space<vmem_shared>>
        tpu.wait_indirect_dma semaphore(%run_scoped3A : memref<!tpu.dma_semaphore, #tpu.memory_space<semaphore_mem>>) src(%arg9 : memref<320x128xf32, #tpu.memory_space<vmem>>) dst(%dma_wait3A_51 : memref<10000x128xf32, #tpu.memory_space<vmem_shared>>)
        tpu.yield
      }) : () -> ()
    }
    %while3A_23 = arith.constant 1 : i32
    scf.for %while3A_35 = %while3A_21 to %while3A_17 step %while3A_23  : i32 {
      %mul3A_36 = arith.muli %while3A_35, %while3A : i32
      %add3A_37 = arith.addi %add3A, %mul3A_36 : i32
      %mul3A_38 = arith.constant 320 : i32
      %mul3A_39 = arith.muli %add3A_37, %mul3A_38 : i32
      "tpu.region"() ({
        %run_scoped3A = tpu.sem_alloc : memref<!tpu.dma_semaphore, #tpu.memory_space<semaphore_mem>>
        %dma_start3A_46 = tpu.memref_slice %arg3[%mul3A_39] : memref<320000xi32, #tpu.memory_space<hbm>> -> memref<320xi32, #tpu.memory_space<hbm>>
        %dma_start3A_47 = tpu.memref_slice %arg3[%mul3A_39] : memref<320000xi32, #tpu.memory_space<hbm>> -> memref<320xi32, #tpu.memory_space<hbm>>
        tpu.enqueue_dma source(%dma_start3A_47 : memref<320xi32, #tpu.memory_space<hbm>>) target(%arg7 : memref<320xi32, #tpu.memory_space<vmem>>) target_semaphore(%run_scoped3A : memref<!tpu.dma_semaphore, #tpu.memory_space<semaphore_mem>>)
        %dma_wait3A_48 = tpu.memref_slice %arg3[%mul3A_39] : memref<320000xi32, #tpu.memory_space<hbm>> -> memref<320xi32, #tpu.memory_space<hbm>>
        %dma_wait3A_49 = tpu.memref_slice %arg3[%mul3A_39] : memref<320000xi32, #tpu.memory_space<hbm>> -> memref<320xi32, #tpu.memory_space<hbm>>
        tpu.wait_dma2 semaphore(%run_scoped3A : memref<!tpu.dma_semaphore, #tpu.memory_space<semaphore_mem>>) src(%dma_wait3A_49 : memref<320xi32, #tpu.memory_space<hbm>>) dst(%arg7 : memref<320xi32, #tpu.memory_space<vmem>>)
        tpu.yield
      }) : () -> ()
      %mul3A_40 = arith.constant 320 : i32
      %mul3A_41 = arith.muli %add3A_37, %mul3A_40 : i32
      "tpu.region"() ({
        %run_scoped3A = tpu.sem_alloc : memref<!tpu.dma_semaphore, #tpu.memory_space<semaphore_mem>>
        %dma_start3A_46 = tpu.memref_slice %arg4[%mul3A_41] : memref<320000xi32, #tpu.memory_space<hbm>> -> memref<320xi32, #tpu.memory_space<hbm>>
        %dma_start3A_47 = tpu.memref_slice %arg4[%mul3A_41] : memref<320000xi32, #tpu.memory_space<hbm>> -> memref<320xi32, #tpu.memory_space<hbm>>
        tpu.enqueue_dma source(%dma_start3A_47 : memref<320xi32, #tpu.memory_space<hbm>>) target(%arg8 : memref<320xi32, #tpu.memory_space<vmem>>) target_semaphore(%run_scoped3A : memref<!tpu.dma_semaphore, #tpu.memory_space<semaphore_mem>>)
        %dma_wait3A_48 = tpu.memref_slice %arg4[%mul3A_41] : memref<320000xi32, #tpu.memory_space<hbm>> -> memref<320xi32, #tpu.memory_space<hbm>>
        %dma_wait3A_49 = tpu.memref_slice %arg4[%mul3A_41] : memref<320000xi32, #tpu.memory_space<hbm>> -> memref<320xi32, #tpu.memory_space<hbm>>
        tpu.wait_dma2 semaphore(%run_scoped3A : memref<!tpu.dma_semaphore, #tpu.memory_space<semaphore_mem>>) src(%dma_wait3A_49 : memref<320xi32, #tpu.memory_space<hbm>>) dst(%arg8 : memref<320xi32, #tpu.memory_space<vmem>>)
        tpu.yield
      }) : () -> ()
      %dma_start3A = arith.constant 0 : i32
      %dma_start3A_42 = arith.constant 0 : i32
      %dma_start3A_43 = tpu.memref_slice %arg2[%dma_start3A, %dma_start3A_42] : memref<10000x128xf32, #tpu.memory_space<hbm>> -> memref<10000x128xf32, #tpu.memory_space<hbm>>
      tpu.enqueue_indirect_dma source(%dma_start3A_43 : memref<10000x128xf32, #tpu.memory_space<hbm>>) target(%arg9 : memref<320x128xf32, #tpu.memory_space<vmem>>) offsets(%arg7 : memref<320xi32, #tpu.memory_space<vmem>>) semaphore(%arg11 : memref<!tpu.dma_semaphore, #tpu.memory_space<semaphore_mem>>)
      %dma_wait3A = arith.constant 0 : i32
      %dma_wait3A_44 = arith.constant 0 : i32
      %dma_wait3A_45 = tpu.memref_slice %arg2[%dma_wait3A, %dma_wait3A_44] : memref<10000x128xf32, #tpu.memory_space<hbm>> -> memref<10000x128xf32, #tpu.memory_space<hbm>>
      tpu.wait_indirect_dma semaphore(%arg11 : memref<!tpu.dma_semaphore, #tpu.memory_space<semaphore_mem>>) src(%dma_wait3A_45 : memref<10000x128xf32, #tpu.memory_space<hbm>>) dst(%arg9 : memref<320x128xf32, #tpu.memory_space<vmem>>)
      "tpu.region"() ({
        %run_scoped3A = tpu.sem_alloc : memref<!tpu.dma_semaphore, #tpu.memory_space<semaphore_mem>>
        %dma_start3A_46 = arith.constant 0 : i32
        %dma_start3A_47 = arith.constant 0 : i32
        %dma_start3A_48 = tpu.memref_slice %arg10[%dma_start3A_46, %dma_start3A_47] : memref<10000x128xf32, #tpu.memory_space<vmem_shared>> -> memref<10000x128xf32, #tpu.memory_space<vmem_shared>>
        tpu.enqueue_indirect_dma source(%arg9 : memref<320x128xf32, #tpu.memory_space<vmem>>) target(%dma_start3A_48 : memref<10000x128xf32, #tpu.memory_space<vmem_shared>>) offsets(%arg8 : memref<320xi32, #tpu.memory_space<vmem>>) semaphore(%run_scoped3A : memref<!tpu.dma_semaphore, #tpu.memory_space<semaphore_mem>>) {add = true}
        %dma_wait3A_49 = arith.constant 0 : i32
        %dma_wait3A_50 = arith.constant 0 : i32
        %dma_wait3A_51 = tpu.memref_slice %arg10[%dma_wait3A_49, %dma_wait3A_50] : memref<10000x128xf32, #tpu.memory_space<vmem_shared>> -> memref<10000x128xf32, #tpu.memory_space<vmem_shared>>
        tpu.wait_indirect_dma semaphore(%run_scoped3A : memref<!tpu.dma_semaphore, #tpu.memory_space<semaphore_mem>>) src(%arg9 : memref<320x128xf32, #tpu.memory_space<vmem>>) dst(%dma_wait3A_51 : memref<10000x128xf32, #tpu.memory_space<vmem_shared>>)
        tpu.yield
      }) : () -> ()
    }
    %barrier3A_24 = arith.constant 0 : index
    tpu.barrier barrier_id(%barrier3A_24)
    %lt3A_25 = arith.constant 15 : i32
    %lt3A_26 = arith.cmpi slt, %arg1, %lt3A_25 : i32
    %convert_element_type3A_27 = arith.extui %lt3A_26 : i1 to i32
    %cond3A_28 = arith.constant 0 : i32
    %cond3A_29 = arith.cmpi ne, %convert_element_type3A_27, %cond3A_28 : i32
    scf.if %cond3A_29 {
      "tpu.region"() ({
        %run_scoped3A = tpu.sem_alloc : memref<!tpu.dma_semaphore, #tpu.memory_space<semaphore_mem>>
        %dma_start3A = arith.constant 0 : i32
        %dma_start3A_35 = tpu.memref_slice %arg6[%arg0, %mul3A_2, %dma_start3A] : memref<2x10000x128xf32, #tpu.memory_space<hbm>> -> memref<1x632x128xf32, #tpu.memory_space<hbm>>
        %dma_start3A_36 = tpu.memref_squeeze %dma_start3A_35 : memref<1x632x128xf32, #tpu.memory_space<hbm>> -> memref<632x128xf32, #tpu.memory_space<hbm>>
        %dma_start3A_37 = arith.constant 0 : i32
        %dma_start3A_38 = tpu.memref_slice %arg10[%mul3A_2, %dma_start3A_37] : memref<10000x128xf32, #tpu.memory_space<vmem_shared>> -> memref<632x128xf32, #tpu.memory_space<vmem_shared>>
        tpu.enqueue_dma source(%dma_start3A_38 : memref<632x128xf32, #tpu.memory_space<vmem_shared>>) target(%dma_start3A_36 : memref<632x128xf32, #tpu.memory_space<hbm>>) target_semaphore(%run_scoped3A : memref<!tpu.dma_semaphore, #tpu.memory_space<semaphore_mem>>)
        %dma_wait3A = arith.constant 0 : i32
        %dma_wait3A_39 = tpu.memref_slice %arg6[%arg0, %mul3A_2, %dma_wait3A] : memref<2x10000x128xf32, #tpu.memory_space<hbm>> -> memref<1x632x128xf32, #tpu.memory_space<hbm>>
        %dma_wait3A_40 = tpu.memref_squeeze %dma_wait3A_39 : memref<1x632x128xf32, #tpu.memory_space<hbm>> -> memref<632x128xf32, #tpu.memory_space<hbm>>
        %dma_wait3A_41 = arith.constant 0 : i32
        %dma_wait3A_42 = tpu.memref_slice %arg10[%mul3A_2, %dma_wait3A_41] : memref<10000x128xf32, #tpu.memory_space<vmem_shared>> -> memref<632x128xf32, #tpu.memory_space<vmem_shared>>
        tpu.wait_dma2 semaphore(%run_scoped3A : memref<!tpu.dma_semaphore, #tpu.memory_space<semaphore_mem>>) src(%dma_wait3A_42 : memref<632x128xf32, #tpu.memory_space<vmem_shared>>) dst(%dma_wait3A_40 : memref<632x128xf32, #tpu.memory_space<hbm>>)
        tpu.yield
      }) : () -> ()
    } else {
    }
    %eq3A_30 = arith.constant 15 : i32
    %eq3A_31 = arith.cmpi eq, %arg1, %eq3A_30 : i32
    %convert_element_type3A_32 = arith.extui %eq3A_31 : i1 to i32
    %cond3A_33 = arith.constant 0 : i32
    %cond3A_34 = arith.cmpi ne, %convert_element_type3A_32, %cond3A_33 : i32
    scf.if %cond3A_34 {
      "tpu.region"() ({
        %run_scoped3A = tpu.sem_alloc : memref<!tpu.dma_semaphore, #tpu.memory_space<semaphore_mem>>
        %dma_start3A = arith.constant 0 : i32
        %dma_start3A_35 = tpu.memref_slice %arg6[%arg0, %mul3A_2, %dma_start3A] : memref<2x10000x128xf32, #tpu.memory_space<hbm>> -> memref<1x520x128xf32, #tpu.memory_space<hbm>>
        %dma_start3A_36 = tpu.memref_squeeze %dma_start3A_35 : memref<1x520x128xf32, #tpu.memory_space<hbm>> -> memref<520x128xf32, #tpu.memory_space<hbm>>
        %dma_start3A_37 = arith.constant 0 : i32
        %dma_start3A_38 = tpu.memref_slice %arg10[%mul3A_2, %dma_start3A_37] : memref<10000x128xf32, #tpu.memory_space<vmem_shared>> -> memref<520x128xf32, #tpu.memory_space<vmem_shared>>
        tpu.enqueue_dma source(%dma_start3A_38 : memref<520x128xf32, #tpu.memory_space<vmem_shared>>) target(%dma_start3A_36 : memref<520x128xf32, #tpu.memory_space<hbm>>) target_semaphore(%run_scoped3A : memref<!tpu.dma_semaphore, #tpu.memory_space<semaphore_mem>>)
        %dma_wait3A = arith.constant 0 : i32
        %dma_wait3A_39 = tpu.memref_slice %arg6[%arg0, %mul3A_2, %dma_wait3A] : memref<2x10000x128xf32, #tpu.memory_space<hbm>> -> memref<1x520x128xf32, #tpu.memory_space<hbm>>
        %dma_wait3A_40 = tpu.memref_squeeze %dma_wait3A_39 : memref<1x520x128xf32, #tpu.memory_space<hbm>> -> memref<520x128xf32, #tpu.memory_space<hbm>>
        %dma_wait3A_41 = arith.constant 0 : i32
        %dma_wait3A_42 = tpu.memref_slice %arg10[%mul3A_2, %dma_wait3A_41] : memref<10000x128xf32, #tpu.memory_space<vmem_shared>> -> memref<520x128xf32, #tpu.memory_space<vmem_shared>>
        tpu.wait_dma2 semaphore(%run_scoped3A : memref<!tpu.dma_semaphore, #tpu.memory_space<semaphore_mem>>) src(%dma_wait3A_42 : memref<520x128xf32, #tpu.memory_space<vmem_shared>>) dst(%dma_wait3A_40 : memref<520x128xf32, #tpu.memory_space<hbm>>)
        tpu.yield
      }) : () -> ()
    } else {
    }
    return
  }
}

module attributes {stable_mosaic.version = 14 : i64} {
  func.func @_mm_body(%arg0: memref<10000x128xf32, #tpu.memory_space<vmem>>, %arg1: memref<128x128xf32, #tpu.memory_space<vmem>>, %arg2: memref<10000x128xf32, #tpu.memory_space<vmem>>) attributes {dimension_semantics = [], scalar_prefetch = 0 : i64, scratch_operands = 0 : i64, tpu.core_type = #tpu.core_type<tc>} {
    %get3A = arith.constant 0 : index
    %get3A_0 = arith.constant 0 : index
    %get3A_1 = vector.load %arg0[%get3A, %get3A_0] : memref<10000x128xf32, #tpu.memory_space<vmem>>, vector<10000x128xf32>
    %get3A_2 = arith.constant 0 : index
    %get3A_3 = arith.constant 0 : index
    %get3A_4 = vector.load %arg1[%get3A_2, %get3A_3] : memref<128x128xf32, #tpu.memory_space<vmem>>, vector<128x128xf32>
    %dot_general3A = arith.constant dense<0.000000e+00> : vector<10000x128xf32>
    %dot_general3A_5 = tpu.matmul %get3A_1, %get3A_4, %dot_general3A {dimension_numbers = #tpu.dot_dimension_numbers<[1], [1], [0], [0], [0, 0, 1, 0], [], []>, transpose_lhs_hint = false} : vector<10000x128xf32>, vector<128x128xf32>, vector<10000x128xf32> -> vector<10000x128xf32>
    %swap3A = arith.constant 0 : index
    %swap3A_6 = arith.constant 0 : index
    %swap3A_7 = vector.load %arg2[%swap3A, %swap3A_6] : memref<10000x128xf32, #tpu.memory_space<vmem>>, vector<10000x128xf32>
    tpu.vector_store %arg2[%swap3A, %swap3A_6], %dot_general3A_5 {strides = array<i32>} : memref<10000x128xf32, #tpu.memory_space<vmem>>, vector<10000x128xf32>,
    return
  }
}

module attributes {stable_mosaic.version = 14 : i64} {
  func.func @_prep1_body(%arg0: memref<10000x128xf32, #tpu.memory_space<vmem>>, %arg1: memref<10000x1xf32, #tpu.memory_space<vmem>>, %arg2: memref<10000x1xf32, #tpu.memory_space<vmem>>, %arg3: memref<10000x1xf32, #tpu.memory_space<vmem>>, %arg4: memref<10000x128xf32, #tpu.memory_space<vmem>>) attributes {dimension_semantics = [], scalar_prefetch = 0 : i64, scratch_operands = 0 : i64, tpu.core_type = #tpu.core_type<tc>} {
    %get3A = arith.constant 0 : index
    %get3A_0 = arith.constant 0 : index
    %get3A_1 = vector.load %arg1[%get3A, %get3A_0] : memref<10000x1xf32, #tpu.memory_space<vmem>>, vector<10000x1xf32>
    %get3A_2 = arith.constant 0 : index
    %get3A_3 = arith.constant 0 : index
    %get3A_4 = vector.load %arg2[%get3A_2, %get3A_3] : memref<10000x1xf32, #tpu.memory_space<vmem>>, vector<10000x1xf32>
    %add3A = arith.addf %get3A_1, %get3A_4 : vector<10000x1xf32>
    %add3A_5 = arith.constant 1.000000e+00 : f32
    %add3A_6 = vector.broadcast %add3A_5 : f32 to vector<10000x1xf32>
    %add3A_7 = arith.addf %add3A, %add3A_6 : vector<10000x1xf32>
    %rsqrt3A = math.rsqrt %add3A_7 : vector<10000x1xf32>
    %swap3A = arith.constant 0 : index
    %swap3A_8 = arith.constant 0 : index
    %swap3A_9 = vector.load %arg3[%swap3A, %swap3A_8] : memref<10000x1xf32, #tpu.memory_space<vmem>>, vector<10000x1xf32>
    tpu.vector_store %arg3[%swap3A, %swap3A_8], %rsqrt3A {strides = array<i32>} : memref<10000x1xf32, #tpu.memory_space<vmem>>, vector<10000x1xf32>,
    %get3A_10 = arith.constant 0 : index
    %get3A_11 = arith.constant 0 : index
    %get3A_12 = vector.load %arg0[%get3A_10, %get3A_11] : memref<10000x128xf32, #tpu.memory_space<vmem>>, vector<10000x128xf32>
    %mul3A = vector.broadcast %rsqrt3A : vector<10000x1xf32> to vector<10000x128xf32>
    %mul3A_13 = arith.mulf %mul3A, %get3A_12 : vector<10000x128xf32>
    %swap3A_14 = arith.constant 0 : index
    %swap3A_15 = arith.constant 0 : index
    %swap3A_16 = vector.load %arg4[%swap3A_14, %swap3A_15] : memref<10000x128xf32, #tpu.memory_space<vmem>>, vector<10000x128xf32>
    tpu.vector_store %arg4[%swap3A_14, %swap3A_15], %mul3A_13 {strides = array<i32>} : memref<10000x128xf32, #tpu.memory_space<vmem>>, vector<10000x128xf32>,
    return
  }
}

module attributes {stable_mosaic.version = 14 : i64} {
  func.func @_layer_body(%arg0: memref<10000x128xf32, #tpu.memory_space<vmem>>, %arg1: memref<10000x128xf32, #tpu.memory_space<vmem>>, %arg2: memref<10000x128xf32, #tpu.memory_space<vmem>>, %arg3: memref<10000x1xf32, #tpu.memory_space<vmem>>, %arg4: memref<1x128xf32, #tpu.memory_space<vmem>>, %arg5: memref<128x128xf32, #tpu.memory_space<vmem>>, %arg6: memref<10000x128xf32, #tpu.memory_space<vmem>>) attributes {dimension_semantics = [], scalar_prefetch = 0 : i64, scratch_operands = 0 : i64, tpu.core_type = #tpu.core_type<tc>} {
    %get3A = arith.constant 0 : index
    %get3A_0 = arith.constant 0 : index
    %get3A_1 = vector.load %arg3[%get3A, %get3A_0] : memref<10000x1xf32, #tpu.memory_space<vmem>>, vector<10000x1xf32>
    %get3A_2 = arith.constant 0 : index
    %get3A_3 = arith.constant 0 : index
    %get3A_4 = vector.load %arg0[%get3A_2, %get3A_3] : memref<10000x128xf32, #tpu.memory_space<vmem>>, vector<10000x128xf32>
    %get3A_5 = arith.constant 0 : index
    %get3A_6 = arith.constant 0 : index
    %get3A_7 = vector.load %arg1[%get3A_5, %get3A_6] : memref<10000x128xf32, #tpu.memory_space<vmem>>, vector<10000x128xf32>
    %add3A = arith.addf %get3A_4, %get3A_7 : vector<10000x128xf32>
    %get3A_8 = arith.constant 0 : index
    %get3A_9 = arith.constant 0 : index
    %get3A_10 = vector.load %arg2[%get3A_8, %get3A_9] : memref<10000x128xf32, #tpu.memory_space<vmem>>, vector<10000x128xf32>
    %add3A_11 = arith.addf %add3A, %get3A_10 : vector<10000x128xf32>
    %mul3A = vector.broadcast %get3A_1 : vector<10000x1xf32> to vector<10000x128xf32>
    %mul3A_12 = arith.mulf %mul3A, %add3A_11 : vector<10000x128xf32>
    %get3A_13 = arith.constant 0 : index
    %get3A_14 = arith.constant 0 : index
    %get3A_15 = vector.load %arg4[%get3A_13, %get3A_14] : memref<1x128xf32, #tpu.memory_space<vmem>>, vector<1x128xf32>
    %add3A_16 = vector.broadcast %get3A_15 : vector<1x128xf32> to vector<10000x128xf32>
    %add3A_17 = arith.addf %mul3A_12, %add3A_16 : vector<10000x128xf32>
    %max3A = arith.constant 0.000000e+00 : f32
    %max3A_18 = vector.broadcast %max3A : f32 to vector<10000x128xf32>
    %max3A_19 = arith.maximumf %add3A_17, %max3A_18 : vector<10000x128xf32>
    %get3A_20 = arith.constant 0 : index
    %get3A_21 = arith.constant 0 : index
    %get3A_22 = vector.load %arg5[%get3A_20, %get3A_21] : memref<128x128xf32, #tpu.memory_space<vmem>>, vector<128x128xf32>
    %dot_general3A = arith.constant dense<0.000000e+00> : vector<10000x128xf32>
    %dot_general3A_23 = tpu.matmul %max3A_19, %get3A_22, %dot_general3A {dimension_numbers = #tpu.dot_dimension_numbers<[1], [1], [0], [0], [0, 0, 1, 0], [], []>, transpose_lhs_hint = false} : vector<10000x128xf32>, vector<128x128xf32>, vector<10000x128xf32> -> vector<10000x128xf32>
    %get3A_24 = arith.constant 0 : index
    %get3A_25 = arith.constant 0 : index
    %get3A_26 = vector.load %arg3[%get3A_24, %get3A_25] : memref<10000x1xf32, #tpu.memory_space<vmem>>, vector<10000x1xf32>
    %mul3A_27 = vector.broadcast %get3A_26 : vector<10000x1xf32> to vector<10000x128xf32>
    %mul3A_28 = arith.mulf %mul3A_27, %dot_general3A_23 : vector<10000x128xf32>
    %swap3A = arith.constant 0 : index
    %swap3A_29 = arith.constant 0 : index
    %swap3A_30 = vector.load %arg6[%swap3A, %swap3A_29] : memref<10000x128xf32, #tpu.memory_space<vmem>>, vector<10000x128xf32>
    tpu.vector_store %arg6[%swap3A, %swap3A_29], %mul3A_28 {strides = array<i32>} : memref<10000x128xf32, #tpu.memory_space<vmem>>, vector<10000x128xf32>,
    return
  }
}

module attributes {stable_mosaic.version = 14 : i64} {
  func.func @_final_body(%arg0: memref<10000x128xf32, #tpu.memory_space<vmem>>, %arg1: memref<10000x128xf32, #tpu.memory_space<vmem>>, %arg2: memref<10000x128xf32, #tpu.memory_space<vmem>>, %arg3: memref<10000x1xf32, #tpu.memory_space<vmem>>, %arg4: memref<1x128xf32, #tpu.memory_space<vmem>>, %arg5: memref<1x128xf32, #tpu.memory_space<vmem>>, %arg6: memref<1x1xf32, #tpu.memory_space<vmem>>, %arg7: memref<1x1xf32, #tpu.memory_space<vmem>>) attributes {dimension_semantics = [], scalar_prefetch = 0 : i64, scratch_operands = 0 : i64, tpu.core_type = #tpu.core_type<tc>} {
    %get3A = arith.constant 0 : index
    %get3A_0 = arith.constant 0 : index
    %get3A_1 = vector.load %arg3[%get3A, %get3A_0] : memref<10000x1xf32, #tpu.memory_space<vmem>>, vector<10000x1xf32>
    %get3A_2 = arith.constant 0 : index
    %get3A_3 = arith.constant 0 : index
    %get3A_4 = vector.load %arg0[%get3A_2, %get3A_3] : memref<10000x128xf32, #tpu.memory_space<vmem>>, vector<10000x128xf32>
    %get3A_5 = arith.constant 0 : index
    %get3A_6 = arith.constant 0 : index
    %get3A_7 = vector.load %arg1[%get3A_5, %get3A_6] : memref<10000x128xf32, #tpu.memory_space<vmem>>, vector<10000x128xf32>
    %add3A = arith.addf %get3A_4, %get3A_7 : vector<10000x128xf32>
    %get3A_8 = arith.constant 0 : index
    %get3A_9 = arith.constant 0 : index
    %get3A_10 = vector.load %arg2[%get3A_8, %get3A_9] : memref<10000x128xf32, #tpu.memory_space<vmem>>, vector<10000x128xf32>
    %add3A_11 = arith.addf %add3A, %get3A_10 : vector<10000x128xf32>
    %mul3A = vector.broadcast %get3A_1 : vector<10000x1xf32> to vector<10000x128xf32>
    %mul3A_12 = arith.mulf %mul3A, %add3A_11 : vector<10000x128xf32>
    %get3A_13 = arith.constant 0 : index
    %get3A_14 = arith.constant 0 : index
    %get3A_15 = vector.load %arg4[%get3A_13, %get3A_14] : memref<1x128xf32, #tpu.memory_space<vmem>>, vector<1x128xf32>
    %add3A_16 = vector.broadcast %get3A_15 : vector<1x128xf32> to vector<10000x128xf32>
    %add3A_17 = arith.addf %mul3A_12, %add3A_16 : vector<10000x128xf32>
    %max3A = arith.constant 0.000000e+00 : f32
    %max3A_18 = vector.broadcast %max3A : f32 to vector<10000x128xf32>
    %max3A_19 = arith.maximumf %add3A_17, %max3A_18 : vector<10000x128xf32>
    %reduce_sum3A = arith.constant dense<0.000000e+00> : vector<128xf32>
    %reduce_sum3A_20 = vector.multi_reduction <add>, %max3A_19, %reduce_sum3A [0] : vector<10000x128xf32> to vector<128xf32>
    %broadcast_in_dim3A = vector.shape_cast %reduce_sum3A_20 : vector<128xf32> to vector<1x128xf32>
    %div3A = arith.constant 1.000000e+04 : f32
    %div3A_21 = vector.broadcast %div3A : f32 to vector<1x128xf32>
    %div3A_22 = arith.divf %broadcast_in_dim3A, %div3A_21 : vector<1x128xf32>
    %get3A_23 = arith.constant 0 : index
    %get3A_24 = arith.constant 0 : index
    %get3A_25 = vector.load %arg5[%get3A_23, %get3A_24] : memref<1x128xf32, #tpu.memory_space<vmem>>, vector<1x128xf32>
    %mul3A_26 = arith.mulf %div3A_22, %get3A_25 : vector<1x128xf32>
    %reduce_sum3A_27 = arith.constant dense<0.000000e+00> : vector<1xf32>
    %reduce_sum3A_28 = vector.multi_reduction <add>, %mul3A_26, %reduce_sum3A_27 [1] : vector<1x128xf32> to vector<1xf32>
    %broadcast_in_dim3A_29 = vector.shape_cast %reduce_sum3A_28 : vector<1xf32> to vector<1x1xf32>
    %get3A_30 = arith.constant 0 : index
    %get3A_31 = arith.constant 0 : index
    %get3A_32 = vector.load %arg6[%get3A_30, %get3A_31] : memref<1x1xf32, #tpu.memory_space<vmem>>, vector<1x1xf32>
    %add3A_33 = arith.addf %broadcast_in_dim3A_29, %get3A_32 : vector<1x1xf32>
    %swap3A = arith.constant 0 : index
    %swap3A_34 = arith.constant 0 : index
    %swap3A_35 = vector.load %arg7[%swap3A, %swap3A_34] : memref<1x1xf32, #tpu.memory_space<vmem>>, vector<1x1xf32>
    tpu.vector_store %arg7[%swap3A, %swap3A_34], %add3A_33 {strides = array<i32>} : memref<1x1xf32, #tpu.memory_space<vmem>>, vector<1x1xf32>,
    return
  }
}

</mosaic_0001>

<sc_bundles>
// kernel: kernel.11.cloned.1.call-start
scs
__scs_entry_jumppad:
0x0: {  	(pc) =	sbr.rel $0x88, $3  }
0x1: {  	(tag) =	ssettag $0x0;
	lr =	simm.s32 $0x1  }
0x2: {  	[smem:$0x3F97] =	sst lr;
	_ =	strace $0xD0000000  }
0x3: {  	_ = 	snop  }
0x4: {  	_ = 	snop  }
0x5: {  	_ = 	snop  }
0x6: {  	_ = 	snop  }
0x7: {  	_ = 	snop  }
__scs_overlays_trampoline_lowered:
0x8: {  	[smem:$0x3FA6] =	sst s0  }
0x9: {  	[smem:$0x3FA7] =	sst s1  }
0xa: {  	[smem:$0x3FA8] =	sst s2  }
0xb: {  	[smem:$0x3FA9] =	sst s3  }
0xc: {  	[smem:$0x3FAA] =	sst s4  }
0xd: {  	[smem:$0x3FAB] =	sst s5  }
0xe: {  	[smem:$0x3FAC] =	sst s6  }
0xf: {  	[smem:$0x3FAD] =	sst s7  }
0x10: {  	[smem:$0x3FAE] =	sst s8  }
0x11: {  	[smem:$0x3FAF] =	sst s9;
	s0 =	simm.s32 @!p0 $0x0  }
0x12: {  	s1 =	sld [smem:$0x3F95];
	s0 =	simm.s32 @p0 $0x1  }
0x13: {  	[smem:$0x3FB0] =	sst s0;
	s0 =	simm.s32 @!p1 $0x0  }
0x14: {  	s2 =	sld [smem:$0x3F94];
	s0 =	simm.s32 @p1 $0x1  }
0x15: {  	[smem:$0x3FB1] =	sst s0;
	s0 =	simm.s32 @!p2 $0x0  }
0x16: {  	s3 =	sld [smem:$0x3FDB];
	s0 =	simm.s32 @p2 $0x1  }
0x17: {  	s4 =	simm.s32 $0x1BF5;
	[smem:$0x3FB3] =	sst s0  }
0x18: {  	s0 =	sld [smem:$0x3F96];
	_ =	swait.ge [sflag:s4], $0x0  }
0x19: {  	s7 =	sld [smem:$0x3F97]  }
0x1a: {  	s8 =	sadd.s32 $0xFFFFE003, lr  }
0x1b: {  	s9 =	sadd.s32 $0xFFFFFEF7, lr;
	s5 =	simm.s32 $0xFFFFFFFF;
	p2 =	slt.u32 s8, $0xFFFFF086  }
0x1c: {  	p1 =	slt.u32 s9, $0xF7A;
	s5 =	simm.s32 @!p2 $0x0  }
0x1d: {  	s5 =	simm.s32 @p1 $0x1;
	p0 =	seq.s32 s7, s2  }
0x1e: {  	s7 =	smul.u32 @!p0 $0xF7A, s2;
	p2 =	seq.s32 @!p0 s5, $0x0  }
0x1f: {  	s9 =	smul.u32 $0xF7A, s1;
	s8 =	simm.s32 @!p0 $0x1BF5;
	p2 =	por !p2, p0  }
0x20: {  	[sflag:s8] =	ssyncset.s32 @!p0 $0xFFFFF086;
	s6 =	sadd.s32 @!p0 s3, s7;
	s7 =	simm.s32 @!p0 $0x108  }
0x21: {  	s3 =	sadd.s32 s3, s9;
	s6 =	sadd.s32 @!p0 $0x88, s6;
	s7 =	simm.s32 @p2 $0x1082  }
0x22: {  	[simem:s7], [sflag:s8] =	dma.local @!p0 [hbm:s6], $0xF7A  }
0x23: {  	s9 =	sor.u32 $0xD0000000, s2;
	s6 =	simm.s32 $0x108;
	_ =	swait.ge @!p0 [sflag:s8], $0x0  }
0x24: {  	s3 =	sadd.s32 $0x88, s3;
	s6 =	simm.s32 @!p1 $0x1082;
	[sflag:s4] =	ssyncset.s32 $0xFFFFF086  }
0x25: {  	[simem:s6], [sflag:s4] =	dma.local [hbm:s3], $0xF7A  }
0x26: {  	[smem:$0x3F97] =	sst s1;
	(tag) =	ssettag s2;
	_ =	strace s9  }
0x27: {  	s1 =	sld [smem:$0x3FA7]  }
0x28: {  	s2 =	sld [smem:$0x3FA8]  }
0x29: {  	s4 =	sld [smem:$0x3FAA]  }
0x2a: {  	p0 =	seq.s32 s5, $0x0;
	s5 =	sld [smem:$0x3FAB]  }
0x2b: {  	s6 =	sld [smem:$0x3FAC]  }
0x2c: {  	s7 =	sld [smem:$0x3FAD]  }
0x2d: {  	s3 =	simm.s32 $0x108;
	s8 =	sld [smem:$0x3FAE]  }
0x2e: {  	s3 =	simm.s32 @!p0 $0x1082;
	s9 =	sld [smem:$0x3FAF]  }
0x2f: {  	lr =	sadd.s32 s0, s3;
	s0 =	sld [smem:$0x3FA6]  }
0x30: {  	s3 =	sld [smem:$0x3FA9]  }
0x31: {  	[smem:$0x3FB2] =	sst s10  }
0x32: {  	s10 =	sld [smem:$0x3FB0];
	_ =	sdelay $0x3  }
0x33: {  	p0 =	seq.s32 s10, $0x1;
	s10 =	sld [smem:$0x3FB2];
	_ =	sdelay $0x3  }
0x34: {  	[smem:$0x3FB2] =	sst s10  }
0x35: {  	s10 =	sld [smem:$0x3FB1];
	_ =	sdelay $0x3  }
0x36: {  	p1 =	seq.s32 s10, $0x1;
	s10 =	sld [smem:$0x3FB2];
	_ =	sdelay $0x3  }
0x37: {  	[smem:$0x3FB2] =	sst s10  }
0x38: {  	s10 =	sld [smem:$0x3FB3]  }
0x39: {  	_ = 	snop;
	(pc) =	sbr.ind lr, $3  }
0x3a: {  	_ = 	snop  }
0x3b: {  	_ = 	snop  }
0x3c: {  	p2 =	seq.s32 s10, $0x1;
	s10 =	sld [smem:$0x3FB2]  }
0x3d: {  	_ =	shalt  }
0x3e: {  	_ =	shalt  }
0x3f: {  	_ =	shalt  }
0x40: {  	_ =	shalt  }
0x41: {  	_ =	shalt  }
0x42: {  	_ =	shalt  }
0x43: {  	_ =	shalt  }
0x44: {  	_ =	shalt  }
0x45: {  	_ =	shalt  }
0x46: {  	_ =	shalt  }
0x47: {  	_ =	shalt  }
0x48: {  	_ =	shalt  }
0x49: {  	_ =	shalt  }
0x4a: {  	_ =	shalt  }
0x4b: {  	_ =	shalt  }
0x4c: {  	_ =	shalt  }
0x4d: {  	_ =	shalt  }
0x4e: {  	_ =	shalt  }
0x4f: {  	_ =	shalt  }
0x50: {  	_ =	shalt  }
0x51: {  	_ =	shalt  }
0x52: {  	_ =	shalt  }
0x53: {  	_ =	shalt  }
0x54: {  	_ =	shalt  }
0x55: {  	_ =	shalt  }
0x56: {  	_ =	shalt  }
0x57: {  	_ =	shalt  }
0x58: {  	_ =	shalt  }
0x59: {  	_ =	shalt  }
0x5a: {  	_ =	shalt  }
0x5b: {  	_ =	shalt  }
0x5c: {  	_ =	shalt  }
0x5d: {  	_ =	shalt  }
0x5e: {  	_ =	shalt  }
0x5f: {  	_ =	shalt  }
0x60: {  	_ =	shalt  }
0x61: {  	_ =	shalt  }
0x62: {  	_ =	shalt  }
0x63: {  	_ =	shalt  }
0x64: {  	_ =	shalt  }
0x65: {  	_ =	shalt  }
0x66: {  	_ =	shalt  }
0x67: {  	_ =	shalt  }
0x68: {  	_ =	shalt  }
0x69: {  	_ =	shalt  }
0x6a: {  	_ =	shalt  }
0x6b: {  	_ =	shalt  }
0x6c: {  	_ =	shalt  }
0x6d: {  	_ =	shalt  }
0x6e: {  	_ =	shalt  }
0x6f: {  	_ =	shalt  }
0x70: {  	_ =	shalt  }
0x71: {  	_ =	shalt  }
0x72: {  	_ =	shalt  }
0x73: {  	_ =	shalt  }
0x74: {  	_ =	shalt  }
0x75: {  	_ =	shalt  }
0x76: {  	_ =	shalt  }
0x77: {  	_ =	shalt  }
0x78: {  	_ =	shalt  }
0x79: {  	_ =	shalt  }
0x7a: {  	_ =	shalt  }
0x7b: {  	_ =	shalt  }
0x7c: {  	_ =	shalt  }
0x7d: {  	_ =	shalt  }
0x7e: {  	_ =	shalt  }
0x7f: {  	_ =	shalt  }
0x80: {  	_ =	shalt  }
0x81: {  	_ =	shalt  }
0x82: {  	_ =	shalt  }
0x83: {  	_ =	shalt  }
0x84: {  	_ =	shalt  }
0x85: {  	_ =	shalt  }
0x86: {  	_ =	shalt  }
0x87: {  	_ =	shalt  }
.Lfunc_end0:
.L_simem_size_0:
called_computation_lowered:
.L_overlay_start_0:
0x88: {  	s2 =	sld [smem:$0x3FD9]  }
0x89: {  	s3 =	sld [smem:$0x3FFE];
	_ =	sdelay $0x1  }
0x8a: {  	s1 =	srdreg.scid  }
0x8b: {  	s0 =	sand.u32 $0x1, s1  }
0x8c: {  	s16 =	sshll.u32 s0, $0xA;
	s2 =	sadd.s32 s3, s2  }
0x8d: {  	s2 =	sadd.s32 s2, s16  }
0x8e: {  	[smem:$0x3FBE] =	sst s2  }
0x8f: {  	_ = 	snop  }
0x90: {  	(tm) =	ssettm $0x1  }
0x91: {  	s17 =	sld [smem:$0x3FFB];
	_ =	sdelay $0x3  }
0x92: {  	_ =	strace s17  }
0x93: {  	s2 =	sld [smem:$0x3FFC];
	_ =	sdelay $0x3  }
0x94: {  	_ =	strace s2  }
0x95: {  	s2 =	sld [smem:$0x3FFD];
	_ =	sdelay $0x3  }
0x96: {  	_ =	strace s2  }
0x97: {  	_ =	strace $0x8FFFFFFF  }
0x98: {  	s18 =	sld [smem:$0x3FDB];
	_ =	sdelay $0x1  }
0x99: {  	s19 =	simm.s32 $_scs_section_size  }
0x9a: {  	s4 =	simm.s32 $_size__tile_overlayer_lowered;
	s5 =	simm.s32 $_tile_overlayer_lowered  }
0x9b: {  	s22 =	simm.s32 $0x1BFF;
	s21 =	sshll.u32 s5, $0x1;
	s2 =	sadd.s32 s19, s18  }
0x9c: {  	s6 =	simm.s32 $0x0;
	s20 =	sshll.u32 s4, $0x1;
	s4 =	sadd.s32 s21, s2  }
0x9d: {  	[timem:s6], [sflag:s22] =	dma.local [hbm:s4], s20  }
0x9e: {  	_ =	swait.ge [sflag:s22], s20  }
0x9f: {  	s3 =	ssub.s32 $0x0, s20;
	[sflag:s22] =	ssyncset.done $0x0  }
0xa0: {  	[sflag:s22] =	ssyncadd.s32 s3;
	_ =	sdelay $0x1  }
0xa1: {  	s23 =	simm.s32 $0x1B8B  }
0xa2: {  	_ =	swait.ge [sflag:s23], $0x1  }
0xa3: {  	[sflag:s23] =	ssyncset.done $0x0  }
0xa4: {  	s25 =	simm.s32 $0x1B8E;
	s24 =	sld [smem:$0x3FFE];
	[sflag:s23] =	ssyncadd.s32 $0xFFFFFFFF  }
0xa5: {  	s26 =	simm.s32 $execute0_lowered;
	[smem:$0x3FD2] =	sst s25  }
0xa6: {  	s4 =	sshll.u32 s26, $0x1;
	_ =	strace $0x80000046;
	[dreg:$0x1] =	wrdreg $0xFFFFFFFF  }
0xa7: {  	s28 =	simm.s32 $_size_execute0_lowered;
	s2 =	sadd.s32 s2, s4;
	[dreg:$0x0] =	wrdreg $0x0  }
0xa8: {  	s4 =	sshll.u32 s28, $0x1;
	[dreg:$0x2] =	wrdreg s2  }
0xa9: {  	[dreg:$0x3] =	wrdreg s4  }
0xaa: {  	[dreg:$0x4] =	wrdreg $0xC0  }
0xab: {  	_ =	task [dreg:s6], $0x5FFFF  }
0xac: {  	[dreg:$0x1] =	wrdreg $0xFFFFFFFF  }
0xad: {  	[dreg:$0x0] =	wrdreg $0x60  }
0xae: {  	[dreg:$0x2] =	wrdreg s24  }
0xaf: {  	[dreg:$0x3] =	wrdreg $0xA1800  }
0xb0: {  	[dreg:$0x4] =	wrdreg $0x9  }
0xb1: {  	_ =	task.clear_ibuf [dreg:s6], $0x5FFFF;
	_ =	strace $0x90000046  }
0xb2: {  	s29 =	simm.s32 $0x9;
	_ =	strace $0x80000048  }
0xb3: {  	_ =	swait.ge [sflag:s29], $0x1  }
0xb4: {  	[sflag:s29] =	ssyncadd.s32 $0xFFFFFFFF  }
0xb5: {  	_ =	strace $0x90000048  }
0xb6: {  	_ =	sfence  }
0xb7: {  	s30 =	sld [smem:$0x0];
	_ =	sdelay $0x2  }
0xb8: {  	s31 =	sshll.u32 s1, $0xD;
	s1 =	sshrl.u32 s1, $0x2  }
0xb9: {  	s3 =	sand.u32 $0x4000, s31;
	s1 =	sadd.s32 s1, s30  }
0xba: {  	s0 =	sor.u32 s3, s0;
	s1 =	sshll.u32 s1, $0x11  }
0xbb: {  	s0 =	sor.u32 s1, s0  }
0xbc: {  	s0 =	sadd.s32 $0x8F2B, s0  }
0xbd: {  	[sflag:s0] =	ssyncadd.remote.s32 $0x1  }
0xbe: {  	_ =	sfence.sel $0xFFFF  }
0xbf: {  	[dreg:$0x0] =	wrdreg $0xFFFFFFFF;
	(pc) =	sbr.abs _section_cstart, $3  }
0xc0: {  	[dreg:$0x1] =	wrdreg $0xFFFFFFFF  }
0xc1: {  	_ =	task.clear_ibuf [dreg:s6], $0x2FFFF;
	_ =	strace $0x9FFFFFFF  }
0xc2: {  	(tm) =	ssettm $0x7FFFFFFF  }
0xc3: {  	_ =	shalt  }
tec
execute0_lowered:
.L_overlay_start_1:
0x0: {  	(tag) =	ssettag $0x1  }
0x1: {  	s7 =	rddreg [dreg:$0x0]  }
0x2: {  	s1 =	rddreg [dreg:$0x1]  }
0x3: {  	s0 =	rddreg [dreg:$0x2]  }
0x4: {  	s3 =	simm.s32 $0x0;
	s4 =	srdreg.scid;
	s2 =	stileid.u32  }
0x5: {  	s17 =	simm.s32 $0x140;
	s18 =	simm.s32 $0x0;
	[smem:$0x7FF] =	sst s3  }
0x6: {  	s9 =	sand.u32 $0x1, s4;
	s8 =	smul.u32 $0x4F000, s2;
	s4 =	sadd.s32 $0xEE00, s7  }
0x7: {  	s5 =	sadd.s32 $0x1B400, s7;
	s12 =	smul.u32 $0x13C00, s2;
	s6 =	sadd.s32 $0x18C00, s7  }
0x8: {  	s13 =	sadd.s32 $0x1C800, s7;
	s25 =	sshll.u32 s2, $0x1;
	s14 =	sadd.s32 $0x128400, s1  }
0x9: {  	s30 =	smul.u32 $0x280, s2;
	p0 =	seq.s32 s2, $0xF;
	_ =	strace $0x80000047  }
0xa: {  	s10 =	smul.u32 $0x138800, s9;
	s11 =	ssub.s32 $0x2, s9;
	s29 =	sor.u32 s25, s9  }
0xb: {  	s31 =	smul.u32 $0x140, s9;
	s15 =	sshll.u32 @!p0 s2, $0x6;
	s14 =	sshrl.u32 @p0 s14, $0x3  }
0xc: {  	s22 =	sshrl.u32 s11, $0x1;
	s23 =	sshrl.u32 s8, $0x2;
	s15 =	sor.u32 @!p0 $0x1C01, s15  }
0xd: {  	s11 =	ssub.s32 s11, s22;
	s24 =	sadd.s32 s12, s10;
	s16 =	sadd.s32 s23, s1  }
0xe: {  	s28 =	sshrl.u32 s10, $0x3;
	s10 =	ssub.s32 $0x407, s29;
	s12 =	simm.s32 $0x180  }
0xf: {  	s26 =	sshrl.u32 s24, $0x3;
	s8 =	sadd.s32 s13, s28;
	s9 =	smax.u32 s11, $0x1  }
0x10: {  	s10 =	sshrl.u32 s10, $0x5;
	s11 =	sadd.s32 s31, s30;
	s16 =	sshrl.u32 @!p0 s16, $0x3  }
0x11: {  	s7 =	sadd.s32 s13, s26;
	s8 =	sadd.s32 $0x25080, s8;
	s13 =	simm.s32 $0x1  }
.LBB2_1:
0x12: {  	[tilespmem:s12], [sflag:$0x1] =	stream.linear.gather [hbm4b:s5+s3], $0xA000, $0x38;
	[tilespmem:$0x1DA00] =	vst v63  }
0x13: {  	_ =	swait.ge [sflag:s13], $0xA000  }
0x14: {  	[sflag:s13] =	ssyncset.done $0x0  }
0x15: {  	s21 =	simm.s32 @p0 $0x1FC1;
	s20 =	simm.s32 @p0 $0x1;
	[sflag:s13] =	ssyncadd.s32 $0xFFFF6000  }
0x16: {  	[spmem:s14], [sflag:s21] =	dma.local @p0 [hbm:s6], $0x2080  }
0x17: {  	_ =	swait.ge @p0 [sflag:s20], $0x2080  }
0x18: {  	[sflag:s20] =	ssyncset.done @p0 $0x0  }
0x19: {  	s19 =	simm.s32 @!p0 $0x1;
	p2 =	sne.s32 s10, $0x1;
	[sflag:s20] =	ssyncadd.s32 @p0 $0xFFFFDF80  }
0x1a: {  	[spmem:s16], [sflag:s15] =	dma.local @!p0 [hbm:s6], $0x2780  }
.Ltmp0:
0x1b: {  	_ =	swait.ge @!p0 [sflag:s19], $0x2780;
	(pc) =	sbr.rel @!p2 .LBB2_4-.Ltmp0, $4  }
0x1c: {  	[sflag:s19] =	ssyncset.done @!p0 $0x0  }
0x1d: {  	[sflag:s19] =	ssyncadd.s32 @!p0 $0xFFFFD880  }
0x1e: {  	[bflag:$0x0] =	sbarrier.arrive $0xFFFF  }
0x1f: {  	s22 =	sadd.s32 $0xFFFFFFFF, s10;
	s24 =	sshrl.u32 s11, $0x3;
	p1 =	por $0x0, $0x0  }
0x20: {  	s23 =	sadd.s32 s4, s24  }
0x21: {  	[tilespmem:s3], [sflag:$0x1] =	stream.linear.gather [hbm4b:s23+s3], $0x140, $0x38;
	[tilespmem:$0x1DA00] =	vst v63  }
0x22: {  	p2 =	sne.s32 s22, $0x1;
	_ =	swait.ge [sflag:s13], $0x140  }
.Ltmp1:
0x23: {  	[sflag:s13] =	ssyncset.done $0x0;
	(pc) =	sbr.rel @!p2 .LBB2_4-.Ltmp1, $4  }
0x24: {  	[sflag:s13] =	ssyncadd.s32 $0xFFFFFEC0  }
0x25: {  	[spmem:s1] =	stream.indirect.scatter.add.f32 [tilespmem:s12], [sflag:$0x1], $0x80, s3, s17, $0xb8;
	[tilespmem:$0x1DA00] =	vst v63  }
0x26: {  	s22 =	sadd.s32 $0xFFFFFFFF, s22;
	s23 =	sadd.s32 $0x2800, s11;
	_ =	swait.ge [sflag:s13], $0xA000  }
0x27: {  	p1 =	por $0x1, $0x1;
	s24 =	sshrl.u32 s23, $0x3;
	[sflag:s13] =	ssyncset.done $0x0  }
.LBB2_3:
0x28: {  	p2 =	sne.s32 s22, $0x1;
	s24 =	sadd.s32 s4, s24;
	[sflag:s13] =	ssyncadd.s32 $0xFFFF6000  }
0x29: {  	[tilespmem:s3], [sflag:$0x1] =	stream.linear.gather [hbm4b:s24+s3], $0x140, $0x38;
	[tilespmem:$0x1DA00] =	vst v63  }
0x2a: {  	s22 =	sadd.s32 $0xFFFFFFFF, s22;
	_ =	swait.ge [sflag:s13], $0x140  }
.Ltmp2:
0x2b: {  	[sflag:s13] =	ssyncset.done $0x0;
	(pc) =	sbr.rel @p2 .LBB2_3-.Ltmp2, $4  }
0x2c: {  	[sflag:s13] =	ssyncadd.s32 $0xFFFFFEC0  }
0x2d: {  	[spmem:s1] =	stream.indirect.scatter.add.f32 [tilespmem:s12], [sflag:$0x1], $0x80, s3, s17, $0xb8;
	[tilespmem:$0x1DA00] =	vst v63  }
0x2e: {  	s23 =	sadd.s32 $0x2800, s23;
	_ =	swait.ge [sflag:s13], $0xA000  }
0x2f: {  	s24 =	sshrl.u32 s23, $0x3;
	[sflag:s13] =	ssyncset.done $0x0  }
.LBB2_4:
0x30: {  	s22 =	sadd.s32 s4, s24;
	[sflag:s13] =	ssyncadd.s32 @p1 $0xFFFF6000  }
0x31: {  	[tilespmem:s3], [sflag:$0x1] =	stream.linear.gather [hbm4b:s22+s3], $0x140, $0x38;
	[tilespmem:$0x1DA00] =	vst v63  }
0x32: {  	_ =	swait.ge [sflag:s13], $0x140  }
0x33: {  	[sflag:s13] =	ssyncset.done $0x0  }
0x34: {  	[sflag:s13] =	ssyncadd.s32 $0xFFFFFEC0  }
0x35: {  	[spmem:s1] =	stream.indirect.scatter.add.f32 [tilespmem:s12], [sflag:$0x1], $0x80, s3, s17, $0xb8;
	[tilespmem:$0x1DA00] =	vst v63  }
0x36: {  	_ =	swait.ge [sflag:s13], $0xA000  }
0x37: {  	[sflag:s13] =	ssyncset.done $0x0  }
0x38: {  	[sflag:s13] =	ssyncadd.s32 $0xFFFF6000  }
0x39: {  	[bflag:$0x0] =	sbarrier.arrive $0xFFFF  }
0x3a: {  	[hbm:s8], [sflag:s21] =	dma.local @p0 [spmem:s14], $0x2080  }
0x3b: {  	s18 =	sadd.s32 $0x1, s18;
	_ =	swait.ge @p0 [sflag:s20], $0x2080  }
0x3c: {  	p1 =	sne.s32 s18, s9;
	[sflag:s20] =	ssyncset.done @p0 $0x0  }
.Ltmp3:
0x3d: {  	[sflag:s20] =	ssyncadd.s32 @p0 $0xFFFFDF80;
	(pc) =	sbr.rel @p1 .LBB2_1-.Ltmp3, $4  }
0x3e: {  	[hbm:s7], [sflag:s15] =	dma.local @!p0 [spmem:s16], $0x2780  }
0x3f: {  	_ =	swait.ge @!p0 [sflag:s19], $0x2780  }
0x40: {  	[sflag:s19] =	ssyncset.done @!p0 $0x0  }
0x41: {  	[sflag:s19] =	ssyncadd.s32 @!p0 $0xFFFFD880  }
0x42: {  	_ =	sfence.sel $0x180000  }
0x43: {  	[bflag:$0x0] =	sbarrier.arrive $0xFFFF  }
0x44: {  	p0 =	sne.s32 s2, $0x0;
	_ =	strace $0x90000047  }
0x45: {  	s0 =	sadd.s32 @!p0 $0x100000, s0;
	[bflag:$0x2] =	sbarrier.arrive $0xFFFF  }
0x46: {  	[sflag:s0] =	ssyncadd.tile.s32 @!p0 $0x1;
	_ =	shalt  }
.Lfunc_end2:
_tile_overlayer_lowered:
.L_overlay_start_2:
0x47: {  	(tag) =	ssettag $0x2  }
0x48: {  	s0 =	rddreg [dreg:$0x0];
	s2 =	stileid.u32  }
0x49: {  	s1 =	rddreg [dreg:$0x1];
	p0 =	sne.s32 s2, $0x0  }
0x4a: {  	s3 =	rddreg [dreg:$0x2];
	[bflag:$0x3] =	sbarrier.arrive $0xFFFF;
	s2 =	simm.s32 @!p0 $0x1C01  }
0x4b: {  	[timem:s3], [sflag:s2] =	dma.local @!p0 [hbm:s0], s1  }
0x4c: {  	s0 =	simm.s32 @!p0 $0x1  }
0x4d: {  	_ =	swait.ge @!p0 [sflag:s0], s1  }
0x4e: {  	s1 =	ssub.s32 @!p0 $0x0, s1;
	[sflag:s0] =	ssyncset.done @!p0 $0x0  }
0x4f: {  	[sflag:s0] =	ssyncadd.s32 @!p0 s1  }
0x50: {  	[bflag:$0x3] =	sbarrier.arrive $0xFFFF  }
0x51: {  	_ =	shalt  }

// kernel: kernel.14.cloned.1.call-start
scs
__scs_entry_jumppad:
0x0: {  	(pc) =	sbr.rel $0x88, $3  }
0x1: {  	(tag) =	ssettag $0x0;
	lr =	simm.s32 $0x1  }
0x2: {  	[smem:$0x3F97] =	sst lr;
	_ =	strace $0xD0000000  }
0x3: {  	_ = 	snop  }
0x4: {  	_ = 	snop  }
0x5: {  	_ = 	snop  }
0x6: {  	_ = 	snop  }
0x7: {  	_ = 	snop  }
__scs_overlays_trampoline_lowered:
0x8: {  	[smem:$0x3FA6] =	sst s0  }
0x9: {  	[smem:$0x3FA7] =	sst s1  }
0xa: {  	[smem:$0x3FA8] =	sst s2  }
0xb: {  	[smem:$0x3FA9] =	sst s3  }
0xc: {  	[smem:$0x3FAA] =	sst s4  }
0xd: {  	[smem:$0x3FAB] =	sst s5  }
0xe: {  	[smem:$0x3FAC] =	sst s6  }
0xf: {  	[smem:$0x3FAD] =	sst s7  }
0x10: {  	[smem:$0x3FAE] =	sst s8  }
0x11: {  	[smem:$0x3FAF] =	sst s9;
	s0 =	simm.s32 @!p0 $0x0  }
0x12: {  	s1 =	sld [smem:$0x3F95];
	s0 =	simm.s32 @p0 $0x1  }
0x13: {  	[smem:$0x3FB0] =	sst s0;
	s0 =	simm.s32 @!p1 $0x0  }
0x14: {  	s2 =	sld [smem:$0x3F94];
	s0 =	simm.s32 @p1 $0x1  }
0x15: {  	[smem:$0x3FB1] =	sst s0;
	s0 =	simm.s32 @!p2 $0x0  }
0x16: {  	s3 =	sld [smem:$0x3FDB];
	s0 =	simm.s32 @p2 $0x1  }
0x17: {  	s4 =	simm.s32 $0x1BF5;
	[smem:$0x3FB3] =	sst s0  }
0x18: {  	s0 =	sld [smem:$0x3F96];
	_ =	swait.ge [sflag:s4], $0x0  }
0x19: {  	s7 =	sld [smem:$0x3F97]  }
0x1a: {  	s8 =	sadd.s32 $0xFFFFE003, lr  }
0x1b: {  	s9 =	sadd.s32 $0xFFFFFEF7, lr;
	s5 =	simm.s32 $0xFFFFFFFF;
	p2 =	slt.u32 s8, $0xFFFFF086  }
0x1c: {  	p1 =	slt.u32 s9, $0xF7A;
	s5 =	simm.s32 @!p2 $0x0  }
0x1d: {  	s5 =	simm.s32 @p1 $0x1;
	p0 =	seq.s32 s7, s2  }
0x1e: {  	s7 =	smul.u32 @!p0 $0xF7A, s2;
	p2 =	seq.s32 @!p0 s5, $0x0  }
0x1f: {  	s9 =	smul.u32 $0xF7A, s1;
	s8 =	simm.s32 @!p0 $0x1BF5;
	p2 =	por !p2, p0  }
0x20: {  	[sflag:s8] =	ssyncset.s32 @!p0 $0xFFFFF086;
	s6 =	sadd.s32 @!p0 s3, s7;
	s7 =	simm.s32 @!p0 $0x108  }
0x21: {  	s3 =	sadd.s32 s3, s9;
	s6 =	sadd.s32 @!p0 $0x88, s6;
	s7 =	simm.s32 @p2 $0x1082  }
0x22: {  	[simem:s7], [sflag:s8] =	dma.local @!p0 [hbm:s6], $0xF7A  }
0x23: {  	s9 =	sor.u32 $0xD0000000, s2;
	s6 =	simm.s32 $0x108;
	_ =	swait.ge @!p0 [sflag:s8], $0x0  }
0x24: {  	s3 =	sadd.s32 $0x88, s3;
	s6 =	simm.s32 @!p1 $0x1082;
	[sflag:s4] =	ssyncset.s32 $0xFFFFF086  }
0x25: {  	[simem:s6], [sflag:s4] =	dma.local [hbm:s3], $0xF7A  }
0x26: {  	[smem:$0x3F97] =	sst s1;
	(tag) =	ssettag s2;
	_ =	strace s9  }
0x27: {  	s1 =	sld [smem:$0x3FA7]  }
0x28: {  	s2 =	sld [smem:$0x3FA8]  }
0x29: {  	s4 =	sld [smem:$0x3FAA]  }
0x2a: {  	p0 =	seq.s32 s5, $0x0;
	s5 =	sld [smem:$0x3FAB]  }
0x2b: {  	s6 =	sld [smem:$0x3FAC]  }
0x2c: {  	s7 =	sld [smem:$0x3FAD]  }
0x2d: {  	s3 =	simm.s32 $0x108;
	s8 =	sld [smem:$0x3FAE]  }
0x2e: {  	s3 =	simm.s32 @!p0 $0x1082;
	s9 =	sld [smem:$0x3FAF]  }
0x2f: {  	lr =	sadd.s32 s0, s3;
	s0 =	sld [smem:$0x3FA6]  }
0x30: {  	s3 =	sld [smem:$0x3FA9]  }
0x31: {  	[smem:$0x3FB2] =	sst s10  }
0x32: {  	s10 =	sld [smem:$0x3FB0];
	_ =	sdelay $0x3  }
0x33: {  	p0 =	seq.s32 s10, $0x1;
	s10 =	sld [smem:$0x3FB2];
	_ =	sdelay $0x3  }
0x34: {  	[smem:$0x3FB2] =	sst s10  }
0x35: {  	s10 =	sld [smem:$0x3FB1];
	_ =	sdelay $0x3  }
0x36: {  	p1 =	seq.s32 s10, $0x1;
	s10 =	sld [smem:$0x3FB2];
	_ =	sdelay $0x3  }
0x37: {  	[smem:$0x3FB2] =	sst s10  }
0x38: {  	s10 =	sld [smem:$0x3FB3]  }
0x39: {  	_ = 	snop;
	(pc) =	sbr.ind lr, $3  }
0x3a: {  	_ = 	snop  }
0x3b: {  	_ = 	snop  }
0x3c: {  	p2 =	seq.s32 s10, $0x1;
	s10 =	sld [smem:$0x3FB2]  }
0x3d: {  	_ =	shalt  }
0x3e: {  	_ =	shalt  }
0x3f: {  	_ =	shalt  }
0x40: {  	_ =	shalt  }
0x41: {  	_ =	shalt  }
0x42: {  	_ =	shalt  }
0x43: {  	_ =	shalt  }
0x44: {  	_ =	shalt  }
0x45: {  	_ =	shalt  }
0x46: {  	_ =	shalt  }
0x47: {  	_ =	shalt  }
0x48: {  	_ =	shalt  }
0x49: {  	_ =	shalt  }
0x4a: {  	_ =	shalt  }
0x4b: {  	_ =	shalt  }
0x4c: {  	_ =	shalt  }
0x4d: {  	_ =	shalt  }
0x4e: {  	_ =	shalt  }
0x4f: {  	_ =	shalt  }
0x50: {  	_ =	shalt  }
0x51: {  	_ =	shalt  }
0x52: {  	_ =	shalt  }
0x53: {  	_ =	shalt  }
0x54: {  	_ =	shalt  }
0x55: {  	_ =	shalt  }
0x56: {  	_ =	shalt  }
0x57: {  	_ =	shalt  }
0x58: {  	_ =	shalt  }
0x59: {  	_ =	shalt  }
0x5a: {  	_ =	shalt  }
0x5b: {  	_ =	shalt  }
0x5c: {  	_ =	shalt  }
0x5d: {  	_ =	shalt  }
0x5e: {  	_ =	shalt  }
0x5f: {  	_ =	shalt  }
0x60: {  	_ =	shalt  }
0x61: {  	_ =	shalt  }
0x62: {  	_ =	shalt  }
0x63: {  	_ =	shalt  }
0x64: {  	_ =	shalt  }
0x65: {  	_ =	shalt  }
0x66: {  	_ =	shalt  }
0x67: {  	_ =	shalt  }
0x68: {  	_ =	shalt  }
0x69: {  	_ =	shalt  }
0x6a: {  	_ =	shalt  }
0x6b: {  	_ =	shalt  }
0x6c: {  	_ =	shalt  }
0x6d: {  	_ =	shalt  }
0x6e: {  	_ =	shalt  }
0x6f: {  	_ =	shalt  }
0x70: {  	_ =	shalt  }
0x71: {  	_ =	shalt  }
0x72: {  	_ =	shalt  }
0x73: {  	_ =	shalt  }
0x74: {  	_ =	shalt  }
0x75: {  	_ =	shalt  }
0x76: {  	_ =	shalt  }
0x77: {  	_ =	shalt  }
0x78: {  	_ =	shalt  }
0x79: {  	_ =	shalt  }
0x7a: {  	_ =	shalt  }
0x7b: {  	_ =	shalt  }
0x7c: {  	_ =	shalt  }
0x7d: {  	_ =	shalt  }
0x7e: {  	_ =	shalt  }
0x7f: {  	_ =	shalt  }
0x80: {  	_ =	shalt  }
0x81: {  	_ =	shalt  }
0x82: {  	_ =	shalt  }
0x83: {  	_ =	shalt  }
0x84: {  	_ =	shalt  }
0x85: {  	_ =	shalt  }
0x86: {  	_ =	shalt  }
0x87: {  	_ =	shalt  }
.Lfunc_end0:
.L_simem_size_0:
called_computation.1_lowered:
.L_overlay_start_0:
0x88: {  	s2 =	sld [smem:$0x3FD9]  }
0x89: {  	s3 =	sld [smem:$0x3FFE];
	_ =	sdelay $0x1  }
0x8a: {  	s1 =	srdreg.scid  }
0x8b: {  	s0 =	sand.u32 $0x1, s1  }
0x8c: {  	s16 =	sshll.u32 s0, $0xA;
	s2 =	sadd.s32 s3, s2  }
0x8d: {  	s2 =	sadd.s32 s2, s16  }
0x8e: {  	[smem:$0x3FBE] =	sst s2  }
0x8f: {  	_ = 	snop  }
0x90: {  	(tm) =	ssettm $0x1  }
0x91: {  	s17 =	sld [smem:$0x3FFB];
	_ =	sdelay $0x3  }
0x92: {  	_ =	strace s17  }
0x93: {  	s2 =	sld [smem:$0x3FFC];
	_ =	sdelay $0x3  }
0x94: {  	_ =	strace s2  }
0x95: {  	s2 =	sld [smem:$0x3FFD];
	_ =	sdelay $0x3  }
0x96: {  	_ =	strace s2  }
0x97: {  	_ =	strace $0x8FFFFFFF  }
0x98: {  	s18 =	sld [smem:$0x3FDB];
	_ =	sdelay $0x1  }
0x99: {  	s19 =	simm.s32 $_scs_section_size  }
0x9a: {  	s4 =	simm.s32 $_size__tile_overlayer_lowered;
	s5 =	simm.s32 $_tile_overlayer_lowered  }
0x9b: {  	s22 =	simm.s32 $0x1BFF;
	s21 =	sshll.u32 s5, $0x1;
	s2 =	sadd.s32 s19, s18  }
0x9c: {  	s6 =	simm.s32 $0x0;
	s20 =	sshll.u32 s4, $0x1;
	s4 =	sadd.s32 s21, s2  }
0x9d: {  	[timem:s6], [sflag:s22] =	dma.local [hbm:s4], s20  }
0x9e: {  	_ =	swait.ge [sflag:s22], s20  }
0x9f: {  	s3 =	ssub.s32 $0x0, s20;
	[sflag:s22] =	ssyncset.done $0x0  }
0xa0: {  	[sflag:s22] =	ssyncadd.s32 s3;
	_ =	sdelay $0x1  }
0xa1: {  	s23 =	simm.s32 $0x1B8B  }
0xa2: {  	_ =	swait.ge [sflag:s23], $0x1  }
0xa3: {  	[sflag:s23] =	ssyncset.done $0x0  }
0xa4: {  	s25 =	simm.s32 $0x1B8E;
	s24 =	sld [smem:$0x3FFE];
	[sflag:s23] =	ssyncadd.s32 $0xFFFFFFFF  }
0xa5: {  	s26 =	simm.s32 $execute0_lowered;
	[smem:$0x3FD2] =	sst s25  }
0xa6: {  	s4 =	sshll.u32 s26, $0x1;
	_ =	strace $0x80000049;
	[dreg:$0x1] =	wrdreg $0xFFFFFFFF  }
0xa7: {  	s28 =	simm.s32 $_size_execute0_lowered;
	s2 =	sadd.s32 s2, s4;
	[dreg:$0x0] =	wrdreg $0x0  }
0xa8: {  	s4 =	sshll.u32 s28, $0x1;
	[dreg:$0x2] =	wrdreg s2  }
0xa9: {  	[dreg:$0x3] =	wrdreg s4  }
0xaa: {  	[dreg:$0x4] =	wrdreg $0xC0  }
0xab: {  	_ =	task [dreg:s6], $0x5FFFF  }
0xac: {  	[dreg:$0x1] =	wrdreg $0xFFFFFFFF  }
0xad: {  	[dreg:$0x0] =	wrdreg $0x60  }
0xae: {  	[dreg:$0x2] =	wrdreg s24  }
0xaf: {  	[dreg:$0x3] =	wrdreg $0xA3000  }
0xb0: {  	[dreg:$0x4] =	wrdreg $0x9  }
0xb1: {  	_ =	task.clear_ibuf [dreg:s6], $0x5FFFF;
	_ =	strace $0x90000049  }
0xb2: {  	s29 =	simm.s32 $0x9;
	_ =	strace $0x8000004B  }
0xb3: {  	_ =	swait.ge [sflag:s29], $0x1  }
0xb4: {  	[sflag:s29] =	ssyncadd.s32 $0xFFFFFFFF  }
0xb5: {  	_ =	strace $0x9000004B  }
0xb6: {  	_ =	sfence  }
0xb7: {  	s30 =	sld [smem:$0x0];
	_ =	sdelay $0x2  }
0xb8: {  	s31 =	sshll.u32 s1, $0xD;
	s1 =	sshrl.u32 s1, $0x2  }
0xb9: {  	s3 =	sand.u32 $0x4000, s31;
	s1 =	sadd.s32 s1, s30  }
0xba: {  	s0 =	sor.u32 s3, s0;
	s1 =	sshll.u32 s1, $0x11  }
0xbb: {  	s0 =	sor.u32 s1, s0  }
0xbc: {  	s0 =	sadd.s32 $0x8F2B, s0  }
0xbd: {  	[sflag:s0] =	ssyncadd.remote.s32 $0x1  }
0xbe: {  	_ =	sfence.sel $0xFFFF  }
0xbf: {  	[dreg:$0x0] =	wrdreg $0xFFFFFFFF;
	(pc) =	sbr.abs _section_cstart, $3  }
0xc0: {  	[dreg:$0x1] =	wrdreg $0xFFFFFFFF  }
0xc1: {  	_ =	task.clear_ibuf [dreg:s6], $0x2FFFF;
	_ =	strace $0x9FFFFFFF  }
0xc2: {  	(tm) =	ssettm $0x7FFFFFFF  }
0xc3: {  	_ =	shalt  }
tec
execute0_lowered:
.L_overlay_start_1:
0x0: {  	(tag) =	ssettag $0x1  }
0x1: {  	s8 =	rddreg [dreg:$0x0]  }
0x2: {  	s1 =	rddreg [dreg:$0x1]  }
0x3: {  	s0 =	rddreg [dreg:$0x2]  }
0x4: {  	s2 =	simm.s32 $0x0;
	s6 =	srdreg.scid;
	s3 =	stileid.u32  }
0x5: {  	s17 =	simm.s32 $0x180;
	s18 =	simm.s32 $0x140;
	s19 =	simm.s32 $0x300  }
0x6: {  	s20 =	simm.s32 $0x1;
	s21 =	simm.s32 $0x0;
	[smem:$0x7FF] =	sst s2  }
0x7: {  	s4 =	sadd.s32 $0x1B400, s8;
	s5 =	sadd.s32 $0x5000, s8;
	s10 =	sand.u32 $0x1, s6  }
0x8: {  	s9 =	smul.u32 $0x4F000, s3;
	s6 =	sadd.s32 $0xEE00, s8;
	s7 =	sadd.s32 $0x18C00, s8  }
0x9: {  	s14 =	smul.u32 $0x13C00, s3;
	s15 =	sadd.s32 $0x69800, s8;
	s25 =	sshll.u32 s3, $0x1  }
0xa: {  	s29 =	smul.u32 $0x280, s3;
	p0 =	seq.s32 s3, $0xF;
	s11 =	ssub.s32 $0x2, s10  }
0xb: {  	_ =	strace $0x8000004A;
	s12 =	smul.u32 $0x138800, s10;
	s13 =	sshrl.u32 s11, $0x1  }
0xc: {  	s30 =	smul.u32 $0x140, s10;
	s24 =	sshrl.u32 s9, $0x2;
	s11 =	ssub.s32 s11, s13  }
0xd: {  	s16 =	sadd.s32 s24, s1;
	s26 =	sadd.s32 s14, s12;
	s14 =	sadd.s32 $0x128400, s1  }
0xe: {  	s28 =	sshrl.u32 s12, $0x3;
	s13 =	sor.u32 s25, s10;
	s12 =	sadd.s32 s30, s29  }
0xf: {  	s8 =	sshrl.u32 s26, $0x3;
	s9 =	sadd.s32 s15, s28;
	s10 =	smax.u32 s11, $0x1  }
0x10: {  	s31 =	ssub.s32 $0x407, s13;
	s13 =	sshrl.u32 @p0 s14, $0x3;
	s8 =	sadd.s32 s15, s8  }
0x11: {  	s9 =	sadd.s32 $0x25080, s9;
	s11 =	sshrl.u32 s31, $0x5;
	s15 =	sshll.u32 @!p0 s3, $0x6  }
0x12: {  	s14 =	sor.u32 @!p0 $0x1C02, s15;
	s15 =	sshrl.u32 @!p0 s16, $0x3;
	s16 =	simm.s32 $0x2  }
.LBB2_1:
0x13: {  	s24 =	simm.s32 @p0 $0x1FC2;
	s23 =	simm.s32 @p0 $0x2  }
0x14: {  	[spmem:s13], [sflag:s24] =	dma.local @p0 [hbm:s7], $0x2080  }
0x15: {  	_ =	swait.ge @p0 [sflag:s23], $0x2080  }
0x16: {  	[sflag:s23] =	ssyncset.done @p0 $0x0  }
0x17: {  	s22 =	simm.s32 @!p0 $0x2;
	p2 =	sne.s32 s11, $0x1;
	[sflag:s23] =	ssyncadd.s32 @p0 $0xFFFFDF80  }
0x18: {  	[spmem:s15], [sflag:s14] =	dma.local @!p0 [hbm:s7], $0x2780  }
.Ltmp0:
0x19: {  	_ =	swait.ge @!p0 [sflag:s22], $0x2780;
	(pc) =	sbr.rel @!p2 .LBB2_4-.Ltmp0, $4  }
0x1a: {  	[sflag:s22] =	ssyncset.done @!p0 $0x0  }
0x1b: {  	[sflag:s22] =	ssyncadd.s32 @!p0 $0xFFFFD880  }
0x1c: {  	[bflag:$0x0] =	sbarrier.arrive $0xFFFF  }
0x1d: {  	s25 =	sadd.s32 $0xFFFFFFFF, s11;
	s28 =	sshrl.u32 s12, $0x3;
	p1 =	por $0x0, $0x0  }
0x1e: {  	s26 =	sadd.s32 s5, s28  }
0x1f: {  	[tilespmem:s2], [sflag:$0x2] =	stream.linear.gather [hbm4b:s26+s2], $0x140, $0x38;
	[tilespmem:$0x1DB80] =	vst v63  }
0x20: {  	_ =	swait.ge [sflag:s16], $0x140  }
0x21: {  	[sflag:s16] =	ssyncset.done $0x0  }
0x22: {  	s31 =	sadd.s32 s6, s28;
	[sflag:s16] =	ssyncadd.s32 $0xFFFFFEC0  }
0x23: {  	[tilespmem:s17], [sflag:$0x2] =	stream.linear.gather [hbm4b:s31+s2], $0x140, $0x38;
	[tilespmem:$0x1DB80] =	vst v63  }
0x24: {  	_ =	swait.ge [sflag:s16], $0x140  }
0x25: {  	[sflag:s16] =	ssyncset.done $0x0  }
0x26: {  	[sflag:s16] =	ssyncadd.s32 $0xFFFFFEC0  }
0x27: {  	[tilespmem:s19], [sflag:$0x1] =	stream.indirect.gather [hbm4b:s4+s18], $0x80, s2, s18, $0xb8;
	[tilespmem:$0x1DB80] =	vst v63  }
0x28: {  	p2 =	sne.s32 s25, $0x1;
	_ =	swait.ge [sflag:s20], $0xA000  }
.Ltmp1:
0x29: {  	[sflag:s20] =	ssyncset.done $0x0;
	(pc) =	sbr.rel @!p2 .LBB2_4-.Ltmp1, $4  }
0x2a: {  	[sflag:s20] =	ssyncadd.s32 $0xFFFF6000  }
0x2b: {  	[spmem:s1] =	stream.indirect.scatter.add.f32 [tilespmem:s19], [sflag:$0x2], $0x80, s17, s18, $0xb8;
	[tilespmem:$0x1DB80] =	vst v63  }
0x2c: {  	s25 =	sadd.s32 $0xFFFFFFFF, s25;
	s26 =	sadd.s32 $0x2800, s12;
	_ =	swait.ge [sflag:s16], $0xA000  }
0x2d: {  	p1 =	por $0x1, $0x1;
	s28 =	sshrl.u32 s26, $0x3;
	[sflag:s16] =	ssyncset.done $0x0  }
.LBB2_3:
0x2e: {  	p2 =	sne.s32 s25, $0x1;
	s29 =	sadd.s32 s5, s28;
	[sflag:s16] =	ssyncadd.s32 $0xFFFF6000  }
0x2f: {  	[tilespmem:s2], [sflag:$0x2] =	stream.linear.gather [hbm4b:s29+s2], $0x140, $0x38;
	[tilespmem:$0x1DB80] =	vst v63  }
0x30: {  	s25 =	sadd.s32 $0xFFFFFFFF, s25;
	_ =	swait.ge [sflag:s16], $0x140  }
0x31: {  	[sflag:s16] =	ssyncset.done $0x0  }
0x32: {  	s28 =	sadd.s32 s6, s28;
	[sflag:s16] =	ssyncadd.s32 $0xFFFFFEC0  }
0x33: {  	[tilespmem:s17], [sflag:$0x2] =	stream.linear.gather [hbm4b:s28+s2], $0x140, $0x38;
	[tilespmem:$0x1DB80] =	vst v63  }
0x34: {  	_ =	swait.ge [sflag:s16], $0x140  }
0x35: {  	[sflag:s16] =	ssyncset.done $0x0  }
0x36: {  	[sflag:s16] =	ssyncadd.s32 $0xFFFFFEC0  }
0x37: {  	[tilespmem:s19], [sflag:$0x1] =	stream.indirect.gather [hbm4b:s4+s18], $0x80, s2, s18, $0xb8;
	[tilespmem:$0x1DB80] =	vst v63  }
0x38: {  	_ =	swait.ge [sflag:s20], $0xA000  }
.Ltmp2:
0x39: {  	[sflag:s20] =	ssyncset.done $0x0;
	(pc) =	sbr.rel @p2 .LBB2_3-.Ltmp2, $4  }
0x3a: {  	[sflag:s20] =	ssyncadd.s32 $0xFFFF6000  }
0x3b: {  	[spmem:s1] =	stream.indirect.scatter.add.f32 [tilespmem:s19], [sflag:$0x2], $0x80, s17, s18, $0xb8;
	[tilespmem:$0x1DB80] =	vst v63  }
0x3c: {  	s26 =	sadd.s32 $0x2800, s26;
	_ =	swait.ge [sflag:s16], $0xA000  }
0x3d: {  	s28 =	sshrl.u32 s26, $0x3;
	[sflag:s16] =	ssyncset.done $0x0  }
.LBB2_4:
0x3e: {  	s25 =	sadd.s32 s5, s28;
	[sflag:s16] =	ssyncadd.s32 @p1 $0xFFFF6000  }
0x3f: {  	[tilespmem:s2], [sflag:$0x2] =	stream.linear.gather [hbm4b:s25+s2], $0x140, $0x38;
	[tilespmem:$0x1DB80] =	vst v63  }
0x40: {  	_ =	swait.ge [sflag:s16], $0x140  }
0x41: {  	[sflag:s16] =	ssyncset.done $0x0  }
0x42: {  	s31 =	sadd.s32 s6, s28;
	[sflag:s16] =	ssyncadd.s32 $0xFFFFFEC0  }
0x43: {  	[tilespmem:s17], [sflag:$0x2] =	stream.linear.gather [hbm4b:s31+s2], $0x140, $0x38;
	[tilespmem:$0x1DB80] =	vst v63  }
0x44: {  	_ =	swait.ge [sflag:s16], $0x140  }
0x45: {  	[sflag:s16] =	ssyncset.done $0x0  }
0x46: {  	[sflag:s16] =	ssyncadd.s32 $0xFFFFFEC0  }
0x47: {  	[tilespmem:s19], [sflag:$0x1] =	stream.indirect.gather [hbm4b:s4+s18], $0x80, s2, s18, $0xb8;
	[tilespmem:$0x1DB80] =	vst v63  }
0x48: {  	_ =	swait.ge [sflag:s20], $0xA000  }
0x49: {  	[sflag:s20] =	ssyncset.done $0x0  }
0x4a: {  	[sflag:s20] =	ssyncadd.s32 $0xFFFF6000  }
0x4b: {  	[spmem:s1] =	stream.indirect.scatter.add.f32 [tilespmem:s19], [sflag:$0x2], $0x80, s17, s18, $0xb8;
	[tilespmem:$0x1DB80] =	vst v63  }
0x4c: {  	_ =	swait.ge [sflag:s16], $0xA000  }
0x4d: {  	[sflag:s16] =	ssyncset.done $0x0  }
0x4e: {  	[sflag:s16] =	ssyncadd.s32 $0xFFFF6000  }
0x4f: {  	[bflag:$0x0] =	sbarrier.arrive $0xFFFF  }
0x50: {  	[hbm:s9], [sflag:s24] =	dma.local @p0 [spmem:s13], $0x2080  }
0x51: {  	s21 =	sadd.s32 $0x1, s21;
	_ =	swait.ge @p0 [sflag:s23], $0x2080  }
0x52: {  	p1 =	sne.s32 s21, s10;
	[sflag:s23] =	ssyncset.done @p0 $0x0  }
.Ltmp3:
0x53: {  	[sflag:s23] =	ssyncadd.s32 @p0 $0xFFFFDF80;
	(pc) =	sbr.rel @p1 .LBB2_1-.Ltmp3, $4  }
0x54: {  	[hbm:s8], [sflag:s14] =	dma.local @!p0 [spmem:s15], $0x2780  }
0x55: {  	_ =	swait.ge @!p0 [sflag:s22], $0x2780  }
0x56: {  	[sflag:s22] =	ssyncset.done @!p0 $0x0  }
0x57: {  	[sflag:s22] =	ssyncadd.s32 @!p0 $0xFFFFD880  }
0x58: {  	_ =	sfence.sel $0x180000  }
0x59: {  	[bflag:$0x0] =	sbarrier.arrive $0xFFFF  }
0x5a: {  	p0 =	sne.s32 s3, $0x0;
	_ =	strace $0x9000004A  }
0x5b: {  	s0 =	sadd.s32 @!p0 $0x100000, s0;
	[bflag:$0x2] =	sbarrier.arrive $0xFFFF  }
0x5c: {  	[sflag:s0] =	ssyncadd.tile.s32 @!p0 $0x1;
	_ =	shalt  }
.Lfunc_end2:
_tile_overlayer_lowered:
.L_overlay_start_2:
0x5d: {  	(tag) =	ssettag $0x2  }
0x5e: {  	s0 =	rddreg [dreg:$0x0];
	s2 =	stileid.u32  }
0x5f: {  	s1 =	rddreg [dreg:$0x1];
	p0 =	sne.s32 s2, $0x0  }
0x60: {  	s3 =	rddreg [dreg:$0x2];
	[bflag:$0x3] =	sbarrier.arrive $0xFFFF;
	s2 =	simm.s32 @!p0 $0x1C02  }
0x61: {  	[timem:s3], [sflag:s2] =	dma.local @!p0 [hbm:s0], s1  }
0x62: {  	s0 =	simm.s32 @!p0 $0x2  }
0x63: {  	_ =	swait.ge @!p0 [sflag:s0], s1  }
0x64: {  	s1 =	ssub.s32 @!p0 $0x0, s1;
	[sflag:s0] =	ssyncset.done @!p0 $0x0  }
0x65: {  	[sflag:s0] =	ssyncadd.s32 @!p0 s1  }
0x66: {  	[bflag:$0x3] =	sbarrier.arrive $0xFFFF  }
0x67: {  	_ =	shalt  }

// kernel: kernel.17.cloned.1.call-start
scs
__scs_entry_jumppad:
0x0: {  	(pc) =	sbr.rel $0x88, $3  }
0x1: {  	(tag) =	ssettag $0x0;
	lr =	simm.s32 $0x1  }
0x2: {  	[smem:$0x3F97] =	sst lr;
	_ =	strace $0xD0000000  }
0x3: {  	_ = 	snop  }
0x4: {  	_ = 	snop  }
0x5: {  	_ = 	snop  }
0x6: {  	_ = 	snop  }
0x7: {  	_ = 	snop  }
__scs_overlays_trampoline_lowered:
0x8: {  	[smem:$0x3FA6] =	sst s0  }
0x9: {  	[smem:$0x3FA7] =	sst s1  }
0xa: {  	[smem:$0x3FA8] =	sst s2  }
0xb: {  	[smem:$0x3FA9] =	sst s3  }
0xc: {  	[smem:$0x3FAA] =	sst s4  }
0xd: {  	[smem:$0x3FAB] =	sst s5  }
0xe: {  	[smem:$0x3FAC] =	sst s6  }
0xf: {  	[smem:$0x3FAD] =	sst s7  }
0x10: {  	[smem:$0x3FAE] =	sst s8  }
0x11: {  	[smem:$0x3FAF] =	sst s9;
	s0 =	simm.s32 @!p0 $0x0  }
0x12: {  	s1 =	sld [smem:$0x3F95];
	s0 =	simm.s32 @p0 $0x1  }
0x13: {  	[smem:$0x3FB0] =	sst s0;
	s0 =	simm.s32 @!p1 $0x0  }
0x14: {  	s2 =	sld [smem:$0x3F94];
	s0 =	simm.s32 @p1 $0x1  }
0x15: {  	[smem:$0x3FB1] =	sst s0;
	s0 =	simm.s32 @!p2 $0x0  }
0x16: {  	s3 =	sld [smem:$0x3FDB];
	s0 =	simm.s32 @p2 $0x1  }
0x17: {  	s4 =	simm.s32 $0x1BF5;
	[smem:$0x3FB3] =	sst s0  }
0x18: {  	s0 =	sld [smem:$0x3F96];
	_ =	swait.ge [sflag:s4], $0x0  }
0x19: {  	s7 =	sld [smem:$0x3F97]  }
0x1a: {  	s8 =	sadd.s32 $0xFFFFE003, lr  }
0x1b: {  	s9 =	sadd.s32 $0xFFFFFEF7, lr;
	s5 =	simm.s32 $0xFFFFFFFF;
	p2 =	slt.u32 s8, $0xFFFFF086  }
0x1c: {  	p1 =	slt.u32 s9, $0xF7A;
	s5 =	simm.s32 @!p2 $0x0  }
0x1d: {  	s5 =	simm.s32 @p1 $0x1;
	p0 =	seq.s32 s7, s2  }
0x1e: {  	s7 =	smul.u32 @!p0 $0xF7A, s2;
	p2 =	seq.s32 @!p0 s5, $0x0  }
0x1f: {  	s9 =	smul.u32 $0xF7A, s1;
	s8 =	simm.s32 @!p0 $0x1BF5;
	p2 =	por !p2, p0  }
0x20: {  	[sflag:s8] =	ssyncset.s32 @!p0 $0xFFFFF086;
	s6 =	sadd.s32 @!p0 s3, s7;
	s7 =	simm.s32 @!p0 $0x108  }
0x21: {  	s3 =	sadd.s32 s3, s9;
	s6 =	sadd.s32 @!p0 $0x88, s6;
	s7 =	simm.s32 @p2 $0x1082  }
0x22: {  	[simem:s7], [sflag:s8] =	dma.local @!p0 [hbm:s6], $0xF7A  }
0x23: {  	s9 =	sor.u32 $0xD0000000, s2;
	s6 =	simm.s32 $0x108;
	_ =	swait.ge @!p0 [sflag:s8], $0x0  }
0x24: {  	s3 =	sadd.s32 $0x88, s3;
	s6 =	simm.s32 @!p1 $0x1082;
	[sflag:s4] =	ssyncset.s32 $0xFFFFF086  }
0x25: {  	[simem:s6], [sflag:s4] =	dma.local [hbm:s3], $0xF7A  }
0x26: {  	[smem:$0x3F97] =	sst s1;
	(tag) =	ssettag s2;
	_ =	strace s9  }
0x27: {  	s1 =	sld [smem:$0x3FA7]  }
0x28: {  	s2 =	sld [smem:$0x3FA8]  }
0x29: {  	s4 =	sld [smem:$0x3FAA]  }
0x2a: {  	p0 =	seq.s32 s5, $0x0;
	s5 =	sld [smem:$0x3FAB]  }
0x2b: {  	s6 =	sld [smem:$0x3FAC]  }
0x2c: {  	s7 =	sld [smem:$0x3FAD]  }
0x2d: {  	s3 =	simm.s32 $0x108;
	s8 =	sld [smem:$0x3FAE]  }
0x2e: {  	s3 =	simm.s32 @!p0 $0x1082;
	s9 =	sld [smem:$0x3FAF]  }
0x2f: {  	lr =	sadd.s32 s0, s3;
	s0 =	sld [smem:$0x3FA6]  }
0x30: {  	s3 =	sld [smem:$0x3FA9]  }
0x31: {  	[smem:$0x3FB2] =	sst s10  }
0x32: {  	s10 =	sld [smem:$0x3FB0];
	_ =	sdelay $0x3  }
0x33: {  	p0 =	seq.s32 s10, $0x1;
	s10 =	sld [smem:$0x3FB2];
	_ =	sdelay $0x3  }
0x34: {  	[smem:$0x3FB2] =	sst s10  }
0x35: {  	s10 =	sld [smem:$0x3FB1];
	_ =	sdelay $0x3  }
0x36: {  	p1 =	seq.s32 s10, $0x1;
	s10 =	sld [smem:$0x3FB2];
	_ =	sdelay $0x3  }
0x37: {  	[smem:$0x3FB2] =	sst s10  }
0x38: {  	s10 =	sld [smem:$0x3FB3]  }
0x39: {  	_ = 	snop;
	(pc) =	sbr.ind lr, $3  }
0x3a: {  	_ = 	snop  }
0x3b: {  	_ = 	snop  }
0x3c: {  	p2 =	seq.s32 s10, $0x1;
	s10 =	sld [smem:$0x3FB2]  }
0x3d: {  	_ =	shalt  }
0x3e: {  	_ =	shalt  }
0x3f: {  	_ =	shalt  }
0x40: {  	_ =	shalt  }
0x41: {  	_ =	shalt  }
0x42: {  	_ =	shalt  }
0x43: {  	_ =	shalt  }
0x44: {  	_ =	shalt  }
0x45: {  	_ =	shalt  }
0x46: {  	_ =	shalt  }
0x47: {  	_ =	shalt  }
0x48: {  	_ =	shalt  }
0x49: {  	_ =	shalt  }
0x4a: {  	_ =	shalt  }
0x4b: {  	_ =	shalt  }
0x4c: {  	_ =	shalt  }
0x4d: {  	_ =	shalt  }
0x4e: {  	_ =	shalt  }
0x4f: {  	_ =	shalt  }
0x50: {  	_ =	shalt  }
0x51: {  	_ =	shalt  }
0x52: {  	_ =	shalt  }
0x53: {  	_ =	shalt  }
0x54: {  	_ =	shalt  }
0x55: {  	_ =	shalt  }
0x56: {  	_ =	shalt  }
0x57: {  	_ =	shalt  }
0x58: {  	_ =	shalt  }
0x59: {  	_ =	shalt  }
0x5a: {  	_ =	shalt  }
0x5b: {  	_ =	shalt  }
0x5c: {  	_ =	shalt  }
0x5d: {  	_ =	shalt  }
0x5e: {  	_ =	shalt  }
0x5f: {  	_ =	shalt  }
0x60: {  	_ =	shalt  }
0x61: {  	_ =	shalt  }
0x62: {  	_ =	shalt  }
0x63: {  	_ =	shalt  }
0x64: {  	_ =	shalt  }
0x65: {  	_ =	shalt  }
0x66: {  	_ =	shalt  }
0x67: {  	_ =	shalt  }
0x68: {  	_ =	shalt  }
0x69: {  	_ =	shalt  }
0x6a: {  	_ =	shalt  }
0x6b: {  	_ =	shalt  }
0x6c: {  	_ =	shalt  }
0x6d: {  	_ =	shalt  }
0x6e: {  	_ =	shalt  }
0x6f: {  	_ =	shalt  }
0x70: {  	_ =	shalt  }
0x71: {  	_ =	shalt  }
0x72: {  	_ =	shalt  }
0x73: {  	_ =	shalt  }
0x74: {  	_ =	shalt  }
0x75: {  	_ =	shalt  }
0x76: {  	_ =	shalt  }
0x77: {  	_ =	shalt  }
0x78: {  	_ =	shalt  }
0x79: {  	_ =	shalt  }
0x7a: {  	_ =	shalt  }
0x7b: {  	_ =	shalt  }
0x7c: {  	_ =	shalt  }
0x7d: {  	_ =	shalt  }
0x7e: {  	_ =	shalt  }
0x7f: {  	_ =	shalt  }
0x80: {  	_ =	shalt  }
0x81: {  	_ =	shalt  }
0x82: {  	_ =	shalt  }
0x83: {  	_ =	shalt  }
0x84: {  	_ =	shalt  }
0x85: {  	_ =	shalt  }
0x86: {  	_ =	shalt  }
0x87: {  	_ =	shalt  }
.Lfunc_end0:
.L_simem_size_0:
called_computation.2_lowered:
.L_overlay_start_0:
0x88: {  	s2 =	sld [smem:$0x3FD9]  }
0x89: {  	s3 =	sld [smem:$0x3FFE];
	_ =	sdelay $0x1  }
0x8a: {  	s1 =	srdreg.scid  }
0x8b: {  	s0 =	sand.u32 $0x1, s1  }
0x8c: {  	s16 =	sshll.u32 s0, $0xA;
	s2 =	sadd.s32 s3, s2  }
0x8d: {  	s2 =	sadd.s32 s2, s16  }
0x8e: {  	[smem:$0x3FBE] =	sst s2  }
0x8f: {  	_ = 	snop  }
0x90: {  	(tm) =	ssettm $0x1  }
0x91: {  	s17 =	sld [smem:$0x3FFB];
	_ =	sdelay $0x3  }
0x92: {  	_ =	strace s17  }
0x93: {  	s2 =	sld [smem:$0x3FFC];
	_ =	sdelay $0x3  }
0x94: {  	_ =	strace s2  }
0x95: {  	s2 =	sld [smem:$0x3FFD];
	_ =	sdelay $0x3  }
0x96: {  	_ =	strace s2  }
0x97: {  	_ =	strace $0x8FFFFFFF  }
0x98: {  	s18 =	sld [smem:$0x3FDB];
	_ =	sdelay $0x1  }
0x99: {  	s19 =	simm.s32 $_scs_section_size  }
0x9a: {  	s4 =	simm.s32 $_size__tile_overlayer_lowered;
	s5 =	simm.s32 $_tile_overlayer_lowered  }
0x9b: {  	s22 =	simm.s32 $0x1BFF;
	s21 =	sshll.u32 s5, $0x1;
	s2 =	sadd.s32 s19, s18  }
0x9c: {  	s6 =	simm.s32 $0x0;
	s20 =	sshll.u32 s4, $0x1;
	s4 =	sadd.s32 s21, s2  }
0x9d: {  	[timem:s6], [sflag:s22] =	dma.local [hbm:s4], s20  }
0x9e: {  	_ =	swait.ge [sflag:s22], s20  }
0x9f: {  	s3 =	ssub.s32 $0x0, s20;
	[sflag:s22] =	ssyncset.done $0x0  }
0xa0: {  	[sflag:s22] =	ssyncadd.s32 s3;
	_ =	sdelay $0x1  }
0xa1: {  	s23 =	simm.s32 $0x1B8B  }
0xa2: {  	_ =	swait.ge [sflag:s23], $0x1  }
0xa3: {  	[sflag:s23] =	ssyncset.done $0x0  }
0xa4: {  	s25 =	simm.s32 $0x1B8E;
	s24 =	sld [smem:$0x3FFE];
	[sflag:s23] =	ssyncadd.s32 $0xFFFFFFFF  }
0xa5: {  	s26 =	simm.s32 $execute0_lowered;
	[smem:$0x3FD2] =	sst s25  }
0xa6: {  	s4 =	sshll.u32 s26, $0x1;
	_ =	strace $0x8000004C;
	[dreg:$0x1] =	wrdreg $0xFFFFFFFF  }
0xa7: {  	s28 =	simm.s32 $_size_execute0_lowered;
	s2 =	sadd.s32 s2, s4;
	[dreg:$0x0] =	wrdreg $0x0  }
0xa8: {  	s4 =	sshll.u32 s28, $0x1;
	[dreg:$0x2] =	wrdreg s2  }
0xa9: {  	[dreg:$0x3] =	wrdreg s4  }
0xaa: {  	[dreg:$0x4] =	wrdreg $0xC0  }
0xab: {  	_ =	task [dreg:s6], $0x5FFFF  }
0xac: {  	[dreg:$0x1] =	wrdreg $0xFFFFFFFF  }
0xad: {  	[dreg:$0x0] =	wrdreg $0x60  }
0xae: {  	[dreg:$0x2] =	wrdreg s24  }
0xaf: {  	[dreg:$0x3] =	wrdreg $0xA3000  }
0xb0: {  	[dreg:$0x4] =	wrdreg $0x9  }
0xb1: {  	_ =	task.clear_ibuf [dreg:s6], $0x5FFFF;
	_ =	strace $0x9000004C  }
0xb2: {  	s29 =	simm.s32 $0x9;
	_ =	strace $0x8000004E  }
0xb3: {  	_ =	swait.ge [sflag:s29], $0x1  }
0xb4: {  	[sflag:s29] =	ssyncadd.s32 $0xFFFFFFFF  }
0xb5: {  	_ =	strace $0x9000004E  }
0xb6: {  	_ =	sfence  }
0xb7: {  	s30 =	sld [smem:$0x0];
	_ =	sdelay $0x2  }
0xb8: {  	s31 =	sshll.u32 s1, $0xD;
	s1 =	sshrl.u32 s1, $0x2  }
0xb9: {  	s3 =	sand.u32 $0x4000, s31;
	s1 =	sadd.s32 s1, s30  }
0xba: {  	s0 =	sor.u32 s3, s0;
	s1 =	sshll.u32 s1, $0x11  }
0xbb: {  	s0 =	sor.u32 s1, s0  }
0xbc: {  	s0 =	sadd.s32 $0x8F2B, s0  }
0xbd: {  	[sflag:s0] =	ssyncadd.remote.s32 $0x1  }
0xbe: {  	_ =	sfence.sel $0xFFFF  }
0xbf: {  	[dreg:$0x0] =	wrdreg $0xFFFFFFFF;
	(pc) =	sbr.abs _section_cstart, $3  }
0xc0: {  	[dreg:$0x1] =	wrdreg $0xFFFFFFFF  }
0xc1: {  	_ =	task.clear_ibuf [dreg:s6], $0x2FFFF;
	_ =	strace $0x9FFFFFFF  }
0xc2: {  	(tm) =	ssettm $0x7FFFFFFF  }
0xc3: {  	_ =	shalt  }
tec
execute0_lowered:
.L_overlay_start_1:
0x0: {  	(tag) =	ssettag $0x1  }
0x1: {  	s8 =	rddreg [dreg:$0x0]  }
0x2: {  	s1 =	rddreg [dreg:$0x1]  }
0x3: {  	s0 =	rddreg [dreg:$0x2]  }
0x4: {  	s2 =	simm.s32 $0x0;
	s6 =	srdreg.scid;
	s3 =	stileid.u32  }
0x5: {  	s17 =	simm.s32 $0x180;
	s18 =	simm.s32 $0x140;
	s19 =	simm.s32 $0x300  }
0x6: {  	s20 =	simm.s32 $0x1;
	s21 =	simm.s32 $0x0;
	[smem:$0x7FF] =	sst s2  }
0x7: {  	s4 =	sadd.s32 $0x1B400, s8;
	s5 =	sadd.s32 $0x5000, s8;
	s10 =	sand.u32 $0x1, s6  }
0x8: {  	s9 =	smul.u32 $0x4F000, s3;
	s6 =	sadd.s32 $0xEE00, s8;
	s7 =	sadd.s32 $0x18C00, s8  }
0x9: {  	s14 =	smul.u32 $0x13C00, s3;
	s15 =	sadd.s32 $0x69800, s8;
	s25 =	sshll.u32 s3, $0x1  }
0xa: {  	s29 =	smul.u32 $0x280, s3;
	p0 =	seq.s32 s3, $0xF;
	s11 =	ssub.s32 $0x2, s10  }
0xb: {  	_ =	strace $0x8000004D;
	s12 =	smul.u32 $0x138800, s10;
	s13 =	sshrl.u32 s11, $0x1  }
0xc: {  	s30 =	smul.u32 $0x140, s10;
	s24 =	sshrl.u32 s9, $0x2;
	s11 =	ssub.s32 s11, s13  }
0xd: {  	s16 =	sadd.s32 s24, s1;
	s26 =	sadd.s32 s14, s12;
	s14 =	sadd.s32 $0x128400, s1  }
0xe: {  	s28 =	sshrl.u32 s12, $0x3;
	s13 =	sor.u32 s25, s10;
	s12 =	sadd.s32 s30, s29  }
0xf: {  	s8 =	sshrl.u32 s26, $0x3;
	s9 =	sadd.s32 s15, s28;
	s10 =	smax.u32 s11, $0x1  }
0x10: {  	s31 =	ssub.s32 $0x407, s13;
	s13 =	sshrl.u32 @p0 s14, $0x3;
	s8 =	sadd.s32 s15, s8  }
0x11: {  	s9 =	sadd.s32 $0x25080, s9;
	s11 =	sshrl.u32 s31, $0x5;
	s15 =	sshll.u32 @!p0 s3, $0x6  }
0x12: {  	s14 =	sor.u32 @!p0 $0x1C02, s15;
	s15 =	sshrl.u32 @!p0 s16, $0x3;
	s16 =	simm.s32 $0x2  }
.LBB2_1:
0x13: {  	s24 =	simm.s32 @p0 $0x1FC2;
	s23 =	simm.s32 @p0 $0x2  }
0x14: {  	[spmem:s13], [sflag:s24] =	dma.local @p0 [hbm:s7], $0x2080  }
0x15: {  	_ =	swait.ge @p0 [sflag:s23], $0x2080  }
0x16: {  	[sflag:s23] =	ssyncset.done @p0 $0x0  }
0x17: {  	s22 =	simm.s32 @!p0 $0x2;
	p2 =	sne.s32 s11, $0x1;
	[sflag:s23] =	ssyncadd.s32 @p0 $0xFFFFDF80  }
0x18: {  	[spmem:s15], [sflag:s14] =	dma.local @!p0 [hbm:s7], $0x2780  }
.Ltmp0:
0x19: {  	_ =	swait.ge @!p0 [sflag:s22], $0x2780;
	(pc) =	sbr.rel @!p2 .LBB2_4-.Ltmp0, $4  }
0x1a: {  	[sflag:s22] =	ssyncset.done @!p0 $0x0  }
0x1b: {  	[sflag:s22] =	ssyncadd.s32 @!p0 $0xFFFFD880  }
0x1c: {  	[bflag:$0x0] =	sbarrier.arrive $0xFFFF  }
0x1d: {  	s25 =	sadd.s32 $0xFFFFFFFF, s11;
	s28 =	sshrl.u32 s12, $0x3;
	p1 =	por $0x0, $0x0  }
0x1e: {  	s26 =	sadd.s32 s5, s28  }
0x1f: {  	[tilespmem:s2], [sflag:$0x2] =	stream.linear.gather [hbm4b:s26+s2], $0x140, $0x38;
	[tilespmem:$0x1DB80] =	vst v63  }
0x20: {  	_ =	swait.ge [sflag:s16], $0x140  }
0x21: {  	[sflag:s16] =	ssyncset.done $0x0  }
0x22: {  	s31 =	sadd.s32 s6, s28;
	[sflag:s16] =	ssyncadd.s32 $0xFFFFFEC0  }
0x23: {  	[tilespmem:s17], [sflag:$0x2] =	stream.linear.gather [hbm4b:s31+s2], $0x140, $0x38;
	[tilespmem:$0x1DB80] =	vst v63  }
0x24: {  	_ =	swait.ge [sflag:s16], $0x140  }
0x25: {  	[sflag:s16] =	ssyncset.done $0x0  }
0x26: {  	[sflag:s16] =	ssyncadd.s32 $0xFFFFFEC0  }
0x27: {  	[tilespmem:s19], [sflag:$0x1] =	stream.indirect.gather [hbm4b:s4+s18], $0x80, s2, s18, $0xb8;
	[tilespmem:$0x1DB80] =	vst v63  }
0x28: {  	p2 =	sne.s32 s25, $0x1;
	_ =	swait.ge [sflag:s20], $0xA000  }
.Ltmp1:
0x29: {  	[sflag:s20] =	ssyncset.done $0x0;
	(pc) =	sbr.rel @!p2 .LBB2_4-.Ltmp1, $4  }
0x2a: {  	[sflag:s20] =	ssyncadd.s32 $0xFFFF6000  }
0x2b: {  	[spmem:s1] =	stream.indirect.scatter.add.f32 [tilespmem:s19], [sflag:$0x2], $0x80, s17, s18, $0xb8;
	[tilespmem:$0x1DB80] =	vst v63  }
0x2c: {  	s25 =	sadd.s32 $0xFFFFFFFF, s25;
	s26 =	sadd.s32 $0x2800, s12;
	_ =	swait.ge [sflag:s16], $0xA000  }
0x2d: {  	p1 =	por $0x1, $0x1;
	s28 =	sshrl.u32 s26, $0x3;
	[sflag:s16] =	ssyncset.done $0x0  }
.LBB2_3:
0x2e: {  	p2 =	sne.s32 s25, $0x1;
	s29 =	sadd.s32 s5, s28;
	[sflag:s16] =	ssyncadd.s32 $0xFFFF6000  }
0x2f: {  	[tilespmem:s2], [sflag:$0x2] =	stream.linear.gather [hbm4b:s29+s2], $0x140, $0x38;
	[tilespmem:$0x1DB80] =	vst v63  }
0x30: {  	s25 =	sadd.s32 $0xFFFFFFFF, s25;
	_ =	swait.ge [sflag:s16], $0x140  }
0x31: {  	[sflag:s16] =	ssyncset.done $0x0  }
0x32: {  	s28 =	sadd.s32 s6, s28;
	[sflag:s16] =	ssyncadd.s32 $0xFFFFFEC0  }
0x33: {  	[tilespmem:s17], [sflag:$0x2] =	stream.linear.gather [hbm4b:s28+s2], $0x140, $0x38;
	[tilespmem:$0x1DB80] =	vst v63  }
0x34: {  	_ =	swait.ge [sflag:s16], $0x140  }
0x35: {  	[sflag:s16] =	ssyncset.done $0x0  }
0x36: {  	[sflag:s16] =	ssyncadd.s32 $0xFFFFFEC0  }
0x37: {  	[tilespmem:s19], [sflag:$0x1] =	stream.indirect.gather [hbm4b:s4+s18], $0x80, s2, s18, $0xb8;
	[tilespmem:$0x1DB80] =	vst v63  }
0x38: {  	_ =	swait.ge [sflag:s20], $0xA000  }
.Ltmp2:
0x39: {  	[sflag:s20] =	ssyncset.done $0x0;
	(pc) =	sbr.rel @p2 .LBB2_3-.Ltmp2, $4  }
0x3a: {  	[sflag:s20] =	ssyncadd.s32 $0xFFFF6000  }
0x3b: {  	[spmem:s1] =	stream.indirect.scatter.add.f32 [tilespmem:s19], [sflag:$0x2], $0x80, s17, s18, $0xb8;
	[tilespmem:$0x1DB80] =	vst v63  }
0x3c: {  	s26 =	sadd.s32 $0x2800, s26;
	_ =	swait.ge [sflag:s16], $0xA000  }
0x3d: {  	s28 =	sshrl.u32 s26, $0x3;
	[sflag:s16] =	ssyncset.done $0x0  }
.LBB2_4:
0x3e: {  	s25 =	sadd.s32 s5, s28;
	[sflag:s16] =	ssyncadd.s32 @p1 $0xFFFF6000  }
0x3f: {  	[tilespmem:s2], [sflag:$0x2] =	stream.linear.gather [hbm4b:s25+s2], $0x140, $0x38;
	[tilespmem:$0x1DB80] =	vst v63  }
0x40: {  	_ =	swait.ge [sflag:s16], $0x140  }
0x41: {  	[sflag:s16] =	ssyncset.done $0x0  }
0x42: {  	s31 =	sadd.s32 s6, s28;
	[sflag:s16] =	ssyncadd.s32 $0xFFFFFEC0  }
0x43: {  	[tilespmem:s17], [sflag:$0x2] =	stream.linear.gather [hbm4b:s31+s2], $0x140, $0x38;
	[tilespmem:$0x1DB80] =	vst v63  }
0x44: {  	_ =	swait.ge [sflag:s16], $0x140  }
0x45: {  	[sflag:s16] =	ssyncset.done $0x0  }
0x46: {  	[sflag:s16] =	ssyncadd.s32 $0xFFFFFEC0  }
0x47: {  	[tilespmem:s19], [sflag:$0x1] =	stream.indirect.gather [hbm4b:s4+s18], $0x80, s2, s18, $0xb8;
	[tilespmem:$0x1DB80] =	vst v63  }
0x48: {  	_ =	swait.ge [sflag:s20], $0xA000  }
0x49: {  	[sflag:s20] =	ssyncset.done $0x0  }
0x4a: {  	[sflag:s20] =	ssyncadd.s32 $0xFFFF6000  }
0x4b: {  	[spmem:s1] =	stream.indirect.scatter.add.f32 [tilespmem:s19], [sflag:$0x2], $0x80, s17, s18, $0xb8;
	[tilespmem:$0x1DB80] =	vst v63  }
0x4c: {  	_ =	swait.ge [sflag:s16], $0xA000  }
0x4d: {  	[sflag:s16] =	ssyncset.done $0x0  }
0x4e: {  	[sflag:s16] =	ssyncadd.s32 $0xFFFF6000  }
0x4f: {  	[bflag:$0x0] =	sbarrier.arrive $0xFFFF  }
0x50: {  	[hbm:s9], [sflag:s24] =	dma.local @p0 [spmem:s13], $0x2080  }
0x51: {  	s21 =	sadd.s32 $0x1, s21;
	_ =	swait.ge @p0 [sflag:s23], $0x2080  }
0x52: {  	p1 =	sne.s32 s21, s10;
	[sflag:s23] =	ssyncset.done @p0 $0x0  }
.Ltmp3:
0x53: {  	[sflag:s23] =	ssyncadd.s32 @p0 $0xFFFFDF80;
	(pc) =	sbr.rel @p1 .LBB2_1-.Ltmp3, $4  }
0x54: {  	[hbm:s8], [sflag:s14] =	dma.local @!p0 [spmem:s15], $0x2780  }
0x55: {  	_ =	swait.ge @!p0 [sflag:s22], $0x2780  }
0x56: {  	[sflag:s22] =	ssyncset.done @!p0 $0x0  }
0x57: {  	[sflag:s22] =	ssyncadd.s32 @!p0 $0xFFFFD880  }
0x58: {  	_ =	sfence.sel $0x180000  }
0x59: {  	[bflag:$0x0] =	sbarrier.arrive $0xFFFF  }
0x5a: {  	p0 =	sne.s32 s3, $0x0;
	_ =	strace $0x9000004D  }
0x5b: {  	s0 =	sadd.s32 @!p0 $0x100000, s0;
	[bflag:$0x2] =	sbarrier.arrive $0xFFFF  }
0x5c: {  	[sflag:s0] =	ssyncadd.tile.s32 @!p0 $0x1;
	_ =	shalt  }
.Lfunc_end2:
_tile_overlayer_lowered:
.L_overlay_start_2:
0x5d: {  	(tag) =	ssettag $0x2  }
0x5e: {  	s0 =	rddreg [dreg:$0x0];
	s2 =	stileid.u32  }
0x5f: {  	s1 =	rddreg [dreg:$0x1];
	p0 =	sne.s32 s2, $0x0  }
0x60: {  	s3 =	rddreg [dreg:$0x2];
	[bflag:$0x3] =	sbarrier.arrive $0xFFFF;
	s2 =	simm.s32 @!p0 $0x1C02  }
0x61: {  	[timem:s3], [sflag:s2] =	dma.local @!p0 [hbm:s0], s1  }
0x62: {  	s0 =	simm.s32 @!p0 $0x2  }
0x63: {  	_ =	swait.ge @!p0 [sflag:s0], s1  }
0x64: {  	s1 =	ssub.s32 @!p0 $0x0, s1;
	[sflag:s0] =	ssyncset.done @!p0 $0x0  }
0x65: {  	[sflag:s0] =	ssyncadd.s32 @!p0 s1  }
0x66: {  	[bflag:$0x3] =	sbarrier.arrive $0xFFFF  }
0x67: {  	_ =	shalt  }

// kernel: kernel.20.cloned.1.call-start
scs
__scs_entry_jumppad:
0x0: {  	(pc) =	sbr.rel $0x88, $3  }
0x1: {  	(tag) =	ssettag $0x0;
	lr =	simm.s32 $0x1  }
0x2: {  	[smem:$0x3F97] =	sst lr;
	_ =	strace $0xD0000000  }
0x3: {  	_ = 	snop  }
0x4: {  	_ = 	snop  }
0x5: {  	_ = 	snop  }
0x6: {  	_ = 	snop  }
0x7: {  	_ = 	snop  }
__scs_overlays_trampoline_lowered:
0x8: {  	[smem:$0x3FA6] =	sst s0  }
0x9: {  	[smem:$0x3FA7] =	sst s1  }
0xa: {  	[smem:$0x3FA8] =	sst s2  }
0xb: {  	[smem:$0x3FA9] =	sst s3  }
0xc: {  	[smem:$0x3FAA] =	sst s4  }
0xd: {  	[smem:$0x3FAB] =	sst s5  }
0xe: {  	[smem:$0x3FAC] =	sst s6  }
0xf: {  	[smem:$0x3FAD] =	sst s7  }
0x10: {  	[smem:$0x3FAE] =	sst s8  }
0x11: {  	[smem:$0x3FAF] =	sst s9;
	s0 =	simm.s32 @!p0 $0x0  }
0x12: {  	s1 =	sld [smem:$0x3F95];
	s0 =	simm.s32 @p0 $0x1  }
0x13: {  	[smem:$0x3FB0] =	sst s0;
	s0 =	simm.s32 @!p1 $0x0  }
0x14: {  	s2 =	sld [smem:$0x3F94];
	s0 =	simm.s32 @p1 $0x1  }
0x15: {  	[smem:$0x3FB1] =	sst s0;
	s0 =	simm.s32 @!p2 $0x0  }
0x16: {  	s3 =	sld [smem:$0x3FDB];
	s0 =	simm.s32 @p2 $0x1  }
0x17: {  	s4 =	simm.s32 $0x1BF5;
	[smem:$0x3FB3] =	sst s0  }
0x18: {  	s0 =	sld [smem:$0x3F96];
	_ =	swait.ge [sflag:s4], $0x0  }
0x19: {  	s7 =	sld [smem:$0x3F97]  }
0x1a: {  	s8 =	sadd.s32 $0xFFFFE003, lr  }
0x1b: {  	s9 =	sadd.s32 $0xFFFFFEF7, lr;
	s5 =	simm.s32 $0xFFFFFFFF;
	p2 =	slt.u32 s8, $0xFFFFF086  }
0x1c: {  	p1 =	slt.u32 s9, $0xF7A;
	s5 =	simm.s32 @!p2 $0x0  }
0x1d: {  	s5 =	simm.s32 @p1 $0x1;
	p0 =	seq.s32 s7, s2  }
0x1e: {  	s7 =	smul.u32 @!p0 $0xF7A, s2;
	p2 =	seq.s32 @!p0 s5, $0x0  }
0x1f: {  	s9 =	smul.u32 $0xF7A, s1;
	s8 =	simm.s32 @!p0 $0x1BF5;
	p2 =	por !p2, p0  }
0x20: {  	[sflag:s8] =	ssyncset.s32 @!p0 $0xFFFFF086;
	s6 =	sadd.s32 @!p0 s3, s7;
	s7 =	simm.s32 @!p0 $0x108  }
0x21: {  	s3 =	sadd.s32 s3, s9;
	s6 =	sadd.s32 @!p0 $0x88, s6;
	s7 =	simm.s32 @p2 $0x1082  }
0x22: {  	[simem:s7], [sflag:s8] =	dma.local @!p0 [hbm:s6], $0xF7A  }
0x23: {  	s9 =	sor.u32 $0xD0000000, s2;
	s6 =	simm.s32 $0x108;
	_ =	swait.ge @!p0 [sflag:s8], $0x0  }
0x24: {  	s3 =	sadd.s32 $0x88, s3;
	s6 =	simm.s32 @!p1 $0x1082;
	[sflag:s4] =	ssyncset.s32 $0xFFFFF086  }
0x25: {  	[simem:s6], [sflag:s4] =	dma.local [hbm:s3], $0xF7A  }
0x26: {  	[smem:$0x3F97] =	sst s1;
	(tag) =	ssettag s2;
	_ =	strace s9  }
0x27: {  	s1 =	sld [smem:$0x3FA7]  }
0x28: {  	s2 =	sld [smem:$0x3FA8]  }
0x29: {  	s4 =	sld [smem:$0x3FAA]  }
0x2a: {  	p0 =	seq.s32 s5, $0x0;
	s5 =	sld [smem:$0x3FAB]  }
0x2b: {  	s6 =	sld [smem:$0x3FAC]  }
0x2c: {  	s7 =	sld [smem:$0x3FAD]  }
0x2d: {  	s3 =	simm.s32 $0x108;
	s8 =	sld [smem:$0x3FAE]  }
0x2e: {  	s3 =	simm.s32 @!p0 $0x1082;
	s9 =	sld [smem:$0x3FAF]  }
0x2f: {  	lr =	sadd.s32 s0, s3;
	s0 =	sld [smem:$0x3FA6]  }
0x30: {  	s3 =	sld [smem:$0x3FA9]  }
0x31: {  	[smem:$0x3FB2] =	sst s10  }
0x32: {  	s10 =	sld [smem:$0x3FB0];
	_ =	sdelay $0x3  }
0x33: {  	p0 =	seq.s32 s10, $0x1;
	s10 =	sld [smem:$0x3FB2];
	_ =	sdelay $0x3  }
0x34: {  	[smem:$0x3FB2] =	sst s10  }
0x35: {  	s10 =	sld [smem:$0x3FB1];
	_ =	sdelay $0x3  }
0x36: {  	p1 =	seq.s32 s10, $0x1;
	s10 =	sld [smem:$0x3FB2];
	_ =	sdelay $0x3  }
0x37: {  	[smem:$0x3FB2] =	sst s10  }
0x38: {  	s10 =	sld [smem:$0x3FB3]  }
0x39: {  	_ = 	snop;
	(pc) =	sbr.ind lr, $3  }
0x3a: {  	_ = 	snop  }
0x3b: {  	_ = 	snop  }
0x3c: {  	p2 =	seq.s32 s10, $0x1;
	s10 =	sld [smem:$0x3FB2]  }
0x3d: {  	_ =	shalt  }
0x3e: {  	_ =	shalt  }
0x3f: {  	_ =	shalt  }
0x40: {  	_ =	shalt  }
0x41: {  	_ =	shalt  }
0x42: {  	_ =	shalt  }
0x43: {  	_ =	shalt  }
0x44: {  	_ =	shalt  }
0x45: {  	_ =	shalt  }
0x46: {  	_ =	shalt  }
0x47: {  	_ =	shalt  }
0x48: {  	_ =	shalt  }
0x49: {  	_ =	shalt  }
0x4a: {  	_ =	shalt  }
0x4b: {  	_ =	shalt  }
0x4c: {  	_ =	shalt  }
0x4d: {  	_ =	shalt  }
0x4e: {  	_ =	shalt  }
0x4f: {  	_ =	shalt  }
0x50: {  	_ =	shalt  }
0x51: {  	_ =	shalt  }
0x52: {  	_ =	shalt  }
0x53: {  	_ =	shalt  }
0x54: {  	_ =	shalt  }
0x55: {  	_ =	shalt  }
0x56: {  	_ =	shalt  }
0x57: {  	_ =	shalt  }
0x58: {  	_ =	shalt  }
0x59: {  	_ =	shalt  }
0x5a: {  	_ =	shalt  }
0x5b: {  	_ =	shalt  }
0x5c: {  	_ =	shalt  }
0x5d: {  	_ =	shalt  }
0x5e: {  	_ =	shalt  }
0x5f: {  	_ =	shalt  }
0x60: {  	_ =	shalt  }
0x61: {  	_ =	shalt  }
0x62: {  	_ =	shalt  }
0x63: {  	_ =	shalt  }
0x64: {  	_ =	shalt  }
0x65: {  	_ =	shalt  }
0x66: {  	_ =	shalt  }
0x67: {  	_ =	shalt  }
0x68: {  	_ =	shalt  }
0x69: {  	_ =	shalt  }
0x6a: {  	_ =	shalt  }
0x6b: {  	_ =	shalt  }
0x6c: {  	_ =	shalt  }
0x6d: {  	_ =	shalt  }
0x6e: {  	_ =	shalt  }
0x6f: {  	_ =	shalt  }
0x70: {  	_ =	shalt  }
0x71: {  	_ =	shalt  }
0x72: {  	_ =	shalt  }
0x73: {  	_ =	shalt  }
0x74: {  	_ =	shalt  }
0x75: {  	_ =	shalt  }
0x76: {  	_ =	shalt  }
0x77: {  	_ =	shalt  }
0x78: {  	_ =	shalt  }
0x79: {  	_ =	shalt  }
0x7a: {  	_ =	shalt  }
0x7b: {  	_ =	shalt  }
0x7c: {  	_ =	shalt  }
0x7d: {  	_ =	shalt  }
0x7e: {  	_ =	shalt  }
0x7f: {  	_ =	shalt  }
0x80: {  	_ =	shalt  }
0x81: {  	_ =	shalt  }
0x82: {  	_ =	shalt  }
0x83: {  	_ =	shalt  }
0x84: {  	_ =	shalt  }
0x85: {  	_ =	shalt  }
0x86: {  	_ =	shalt  }
0x87: {  	_ =	shalt  }
.Lfunc_end0:
.L_simem_size_0:
called_computation.3_lowered:
.L_overlay_start_0:
0x88: {  	s2 =	sld [smem:$0x3FD9]  }
0x89: {  	s3 =	sld [smem:$0x3FFE];
	_ =	sdelay $0x1  }
0x8a: {  	s1 =	srdreg.scid  }
0x8b: {  	s0 =	sand.u32 $0x1, s1  }
0x8c: {  	s16 =	sshll.u32 s0, $0xA;
	s2 =	sadd.s32 s3, s2  }
0x8d: {  	s2 =	sadd.s32 s2, s16  }
0x8e: {  	[smem:$0x3FBE] =	sst s2  }
0x8f: {  	_ = 	snop  }
0x90: {  	(tm) =	ssettm $0x1  }
0x91: {  	s17 =	sld [smem:$0x3FFB];
	_ =	sdelay $0x3  }
0x92: {  	_ =	strace s17  }
0x93: {  	s2 =	sld [smem:$0x3FFC];
	_ =	sdelay $0x3  }
0x94: {  	_ =	strace s2  }
0x95: {  	s2 =	sld [smem:$0x3FFD];
	_ =	sdelay $0x3  }
0x96: {  	_ =	strace s2  }
0x97: {  	_ =	strace $0x8FFFFFFF  }
0x98: {  	s18 =	sld [smem:$0x3FDB];
	_ =	sdelay $0x1  }
0x99: {  	s19 =	simm.s32 $_scs_section_size  }
0x9a: {  	s4 =	simm.s32 $_size__tile_overlayer_lowered;
	s5 =	simm.s32 $_tile_overlayer_lowered  }
0x9b: {  	s22 =	simm.s32 $0x1BFF;
	s21 =	sshll.u32 s5, $0x1;
	s2 =	sadd.s32 s19, s18  }
0x9c: {  	s6 =	simm.s32 $0x0;
	s20 =	sshll.u32 s4, $0x1;
	s4 =	sadd.s32 s21, s2  }
0x9d: {  	[timem:s6], [sflag:s22] =	dma.local [hbm:s4], s20  }
0x9e: {  	_ =	swait.ge [sflag:s22], s20  }
0x9f: {  	s3 =	ssub.s32 $0x0, s20;
	[sflag:s22] =	ssyncset.done $0x0  }
0xa0: {  	[sflag:s22] =	ssyncadd.s32 s3;
	_ =	sdelay $0x1  }
0xa1: {  	s23 =	simm.s32 $0x1B8B  }
0xa2: {  	_ =	swait.ge [sflag:s23], $0x1  }
0xa3: {  	[sflag:s23] =	ssyncset.done $0x0  }
0xa4: {  	s25 =	simm.s32 $0x1B8E;
	s24 =	sld [smem:$0x3FFE];
	[sflag:s23] =	ssyncadd.s32 $0xFFFFFFFF  }
0xa5: {  	s26 =	simm.s32 $execute0_lowered;
	[smem:$0x3FD2] =	sst s25  }
0xa6: {  	s4 =	sshll.u32 s26, $0x1;
	_ =	strace $0x8000004F;
	[dreg:$0x1] =	wrdreg $0xFFFFFFFF  }
0xa7: {  	s28 =	simm.s32 $_size_execute0_lowered;
	s2 =	sadd.s32 s2, s4;
	[dreg:$0x0] =	wrdreg $0x0  }
0xa8: {  	s4 =	sshll.u32 s28, $0x1;
	[dreg:$0x2] =	wrdreg s2  }
0xa9: {  	[dreg:$0x3] =	wrdreg s4  }
0xaa: {  	[dreg:$0x4] =	wrdreg $0xC0  }
0xab: {  	_ =	task [dreg:s6], $0x5FFFF  }
0xac: {  	[dreg:$0x1] =	wrdreg $0xFFFFFFFF  }
0xad: {  	[dreg:$0x0] =	wrdreg $0x60  }
0xae: {  	[dreg:$0x2] =	wrdreg s24  }
0xaf: {  	[dreg:$0x3] =	wrdreg $0xA3000  }
0xb0: {  	[dreg:$0x4] =	wrdreg $0x9  }
0xb1: {  	_ =	task.clear_ibuf [dreg:s6], $0x5FFFF;
	_ =	strace $0x9000004F  }
0xb2: {  	s29 =	simm.s32 $0x9;
	_ =	strace $0x80000051  }
0xb3: {  	_ =	swait.ge [sflag:s29], $0x1  }
0xb4: {  	[sflag:s29] =	ssyncadd.s32 $0xFFFFFFFF  }
0xb5: {  	_ =	strace $0x90000051  }
0xb6: {  	_ =	sfence  }
0xb7: {  	s30 =	sld [smem:$0x0];
	_ =	sdelay $0x2  }
0xb8: {  	s31 =	sshll.u32 s1, $0xD;
	s1 =	sshrl.u32 s1, $0x2  }
0xb9: {  	s3 =	sand.u32 $0x4000, s31;
	s1 =	sadd.s32 s1, s30  }
0xba: {  	s0 =	sor.u32 s3, s0;
	s1 =	sshll.u32 s1, $0x11  }
0xbb: {  	s0 =	sor.u32 s1, s0  }
0xbc: {  	s0 =	sadd.s32 $0x8F2B, s0  }
0xbd: {  	[sflag:s0] =	ssyncadd.remote.s32 $0x1  }
0xbe: {  	_ =	sfence.sel $0xFFFF  }
0xbf: {  	[dreg:$0x0] =	wrdreg $0xFFFFFFFF;
	(pc) =	sbr.abs _section_cstart, $3  }
0xc0: {  	[dreg:$0x1] =	wrdreg $0xFFFFFFFF  }
0xc1: {  	_ =	task.clear_ibuf [dreg:s6], $0x2FFFF;
	_ =	strace $0x9FFFFFFF  }
0xc2: {  	(tm) =	ssettm $0x7FFFFFFF  }
0xc3: {  	_ =	shalt  }
tec
execute0_lowered:
.L_overlay_start_1:
0x0: {  	(tag) =	ssettag $0x1  }
0x1: {  	s8 =	rddreg [dreg:$0x0]  }
0x2: {  	s1 =	rddreg [dreg:$0x1]  }
0x3: {  	s0 =	rddreg [dreg:$0x2]  }
0x4: {  	s2 =	simm.s32 $0x0;
	s6 =	srdreg.scid;
	s3 =	stileid.u32  }
0x5: {  	s17 =	simm.s32 $0x180;
	s18 =	simm.s32 $0x140;
	s19 =	simm.s32 $0x300  }
0x6: {  	s20 =	simm.s32 $0x1;
	s21 =	simm.s32 $0x0;
	[smem:$0x7FF] =	sst s2  }
0x7: {  	s4 =	sadd.s32 $0x1B400, s8;
	s5 =	sadd.s32 $0x5000, s8;
	s10 =	sand.u32 $0x1, s6  }
0x8: {  	s9 =	smul.u32 $0x4F000, s3;
	s6 =	sadd.s32 $0xEE00, s8;
	s7 =	sadd.s32 $0x18C00, s8  }
0x9: {  	s14 =	smul.u32 $0x13C00, s3;
	s15 =	sadd.s32 $0x69800, s8;
	s25 =	sshll.u32 s3, $0x1  }
0xa: {  	s29 =	smul.u32 $0x280, s3;
	p0 =	seq.s32 s3, $0xF;
	s11 =	ssub.s32 $0x2, s10  }
0xb: {  	_ =	strace $0x80000050;
	s12 =	smul.u32 $0x138800, s10;
	s13 =	sshrl.u32 s11, $0x1  }
0xc: {  	s30 =	smul.u32 $0x140, s10;
	s24 =	sshrl.u32 s9, $0x2;
	s11 =	ssub.s32 s11, s13  }
0xd: {  	s16 =	sadd.s32 s24, s1;
	s26 =	sadd.s32 s14, s12;
	s14 =	sadd.s32 $0x128400, s1  }
0xe: {  	s28 =	sshrl.u32 s12, $0x3;
	s13 =	sor.u32 s25, s10;
	s12 =	sadd.s32 s30, s29  }
0xf: {  	s8 =	sshrl.u32 s26, $0x3;
	s9 =	sadd.s32 s15, s28;
	s10 =	smax.u32 s11, $0x1  }
0x10: {  	s31 =	ssub.s32 $0x407, s13;
	s13 =	sshrl.u32 @p0 s14, $0x3;
	s8 =	sadd.s32 s15, s8  }
0x11: {  	s9 =	sadd.s32 $0x25080, s9;
	s11 =	sshrl.u32 s31, $0x5;
	s15 =	sshll.u32 @!p0 s3, $0x6  }
0x12: {  	s14 =	sor.u32 @!p0 $0x1C02, s15;
	s15 =	sshrl.u32 @!p0 s16, $0x3;
	s16 =	simm.s32 $0x2  }
.LBB2_1:
0x13: {  	s24 =	simm.s32 @p0 $0x1FC2;
	s23 =	simm.s32 @p0 $0x2  }
0x14: {  	[spmem:s13], [sflag:s24] =	dma.local @p0 [hbm:s7], $0x2080  }
0x15: {  	_ =	swait.ge @p0 [sflag:s23], $0x2080  }
0x16: {  	[sflag:s23] =	ssyncset.done @p0 $0x0  }
0x17: {  	s22 =	simm.s32 @!p0 $0x2;
	p2 =	sne.s32 s11, $0x1;
	[sflag:s23] =	ssyncadd.s32 @p0 $0xFFFFDF80  }
0x18: {  	[spmem:s15], [sflag:s14] =	dma.local @!p0 [hbm:s7], $0x2780  }
.Ltmp0:
0x19: {  	_ =	swait.ge @!p0 [sflag:s22], $0x2780;
	(pc) =	sbr.rel @!p2 .LBB2_4-.Ltmp0, $4  }
0x1a: {  	[sflag:s22] =	ssyncset.done @!p0 $0x0  }
0x1b: {  	[sflag:s22] =	ssyncadd.s32 @!p0 $0xFFFFD880  }
0x1c: {  	[bflag:$0x0] =	sbarrier.arrive $0xFFFF  }
0x1d: {  	s25 =	sadd.s32 $0xFFFFFFFF, s11;
	s28 =	sshrl.u32 s12, $0x3;
	p1 =	por $0x0, $0x0  }
0x1e: {  	s26 =	sadd.s32 s5, s28  }
0x1f: {  	[tilespmem:s2], [sflag:$0x2] =	stream.linear.gather [hbm4b:s26+s2], $0x140, $0x38;
	[tilespmem:$0x1DB80] =	vst v63  }
0x20: {  	_ =	swait.ge [sflag:s16], $0x140  }
0x21: {  	[sflag:s16] =	ssyncset.done $0x0  }
0x22: {  	s31 =	sadd.s32 s6, s28;
	[sflag:s16] =	ssyncadd.s32 $0xFFFFFEC0  }
0x23: {  	[tilespmem:s17], [sflag:$0x2] =	stream.linear.gather [hbm4b:s31+s2], $0x140, $0x38;
	[tilespmem:$0x1DB80] =	vst v63  }
0x24: {  	_ =	swait.ge [sflag:s16], $0x140  }
0x25: {  	[sflag:s16] =	ssyncset.done $0x0  }
0x26: {  	[sflag:s16] =	ssyncadd.s32 $0xFFFFFEC0  }
0x27: {  	[tilespmem:s19], [sflag:$0x1] =	stream.indirect.gather [hbm4b:s4+s18], $0x80, s2, s18, $0xb8;
	[tilespmem:$0x1DB80] =	vst v63  }
0x28: {  	p2 =	sne.s32 s25, $0x1;
	_ =	swait.ge [sflag:s20], $0xA000  }
.Ltmp1:
0x29: {  	[sflag:s20] =	ssyncset.done $0x0;
	(pc) =	sbr.rel @!p2 .LBB2_4-.Ltmp1, $4  }
0x2a: {  	[sflag:s20] =	ssyncadd.s32 $0xFFFF6000  }
0x2b: {  	[spmem:s1] =	stream.indirect.scatter.add.f32 [tilespmem:s19], [sflag:$0x2], $0x80, s17, s18, $0xb8;
	[tilespmem:$0x1DB80] =	vst v63  }
0x2c: {  	s25 =	sadd.s32 $0xFFFFFFFF, s25;
	s26 =	sadd.s32 $0x2800, s12;
	_ =	swait.ge [sflag:s16], $0xA000  }
0x2d: {  	p1 =	por $0x1, $0x1;
	s28 =	sshrl.u32 s26, $0x3;
	[sflag:s16] =	ssyncset.done $0x0  }
.LBB2_3:
0x2e: {  	p2 =	sne.s32 s25, $0x1;
	s29 =	sadd.s32 s5, s28;
	[sflag:s16] =	ssyncadd.s32 $0xFFFF6000  }
0x2f: {  	[tilespmem:s2], [sflag:$0x2] =	stream.linear.gather [hbm4b:s29+s2], $0x140, $0x38;
	[tilespmem:$0x1DB80] =	vst v63  }
0x30: {  	s25 =	sadd.s32 $0xFFFFFFFF, s25;
	_ =	swait.ge [sflag:s16], $0x140  }
0x31: {  	[sflag:s16] =	ssyncset.done $0x0  }
0x32: {  	s28 =	sadd.s32 s6, s28;
	[sflag:s16] =	ssyncadd.s32 $0xFFFFFEC0  }
0x33: {  	[tilespmem:s17], [sflag:$0x2] =	stream.linear.gather [hbm4b:s28+s2], $0x140, $0x38;
	[tilespmem:$0x1DB80] =	vst v63  }
0x34: {  	_ =	swait.ge [sflag:s16], $0x140  }
0x35: {  	[sflag:s16] =	ssyncset.done $0x0  }
0x36: {  	[sflag:s16] =	ssyncadd.s32 $0xFFFFFEC0  }
0x37: {  	[tilespmem:s19], [sflag:$0x1] =	stream.indirect.gather [hbm4b:s4+s18], $0x80, s2, s18, $0xb8;
	[tilespmem:$0x1DB80] =	vst v63  }
0x38: {  	_ =	swait.ge [sflag:s20], $0xA000  }
.Ltmp2:
0x39: {  	[sflag:s20] =	ssyncset.done $0x0;
	(pc) =	sbr.rel @p2 .LBB2_3-.Ltmp2, $4  }
0x3a: {  	[sflag:s20] =	ssyncadd.s32 $0xFFFF6000  }
0x3b: {  	[spmem:s1] =	stream.indirect.scatter.add.f32 [tilespmem:s19], [sflag:$0x2], $0x80, s17, s18, $0xb8;
	[tilespmem:$0x1DB80] =	vst v63  }
0x3c: {  	s26 =	sadd.s32 $0x2800, s26;
	_ =	swait.ge [sflag:s16], $0xA000  }
0x3d: {  	s28 =	sshrl.u32 s26, $0x3;
	[sflag:s16] =	ssyncset.done $0x0  }
.LBB2_4:
0x3e: {  	s25 =	sadd.s32 s5, s28;
	[sflag:s16] =	ssyncadd.s32 @p1 $0xFFFF6000  }
0x3f: {  	[tilespmem:s2], [sflag:$0x2] =	stream.linear.gather [hbm4b:s25+s2], $0x140, $0x38;
	[tilespmem:$0x1DB80] =	vst v63  }
0x40: {  	_ =	swait.ge [sflag:s16], $0x140  }
0x41: {  	[sflag:s16] =	ssyncset.done $0x0  }
0x42: {  	s31 =	sadd.s32 s6, s28;
	[sflag:s16] =	ssyncadd.s32 $0xFFFFFEC0  }
0x43: {  	[tilespmem:s17], [sflag:$0x2] =	stream.linear.gather [hbm4b:s31+s2], $0x140, $0x38;
	[tilespmem:$0x1DB80] =	vst v63  }
0x44: {  	_ =	swait.ge [sflag:s16], $0x140  }
0x45: {  	[sflag:s16] =	ssyncset.done $0x0  }
0x46: {  	[sflag:s16] =	ssyncadd.s32 $0xFFFFFEC0  }
0x47: {  	[tilespmem:s19], [sflag:$0x1] =	stream.indirect.gather [hbm4b:s4+s18], $0x80, s2, s18, $0xb8;
	[tilespmem:$0x1DB80] =	vst v63  }
0x48: {  	_ =	swait.ge [sflag:s20], $0xA000  }
0x49: {  	[sflag:s20] =	ssyncset.done $0x0  }
0x4a: {  	[sflag:s20] =	ssyncadd.s32 $0xFFFF6000  }
0x4b: {  	[spmem:s1] =	stream.indirect.scatter.add.f32 [tilespmem:s19], [sflag:$0x2], $0x80, s17, s18, $0xb8;
	[tilespmem:$0x1DB80] =	vst v63  }
0x4c: {  	_ =	swait.ge [sflag:s16], $0xA000  }
0x4d: {  	[sflag:s16] =	ssyncset.done $0x0  }
0x4e: {  	[sflag:s16] =	ssyncadd.s32 $0xFFFF6000  }
0x4f: {  	[bflag:$0x0] =	sbarrier.arrive $0xFFFF  }
0x50: {  	[hbm:s9], [sflag:s24] =	dma.local @p0 [spmem:s13], $0x2080  }
0x51: {  	s21 =	sadd.s32 $0x1, s21;
	_ =	swait.ge @p0 [sflag:s23], $0x2080  }
0x52: {  	p1 =	sne.s32 s21, s10;
	[sflag:s23] =	ssyncset.done @p0 $0x0  }
.Ltmp3:
0x53: {  	[sflag:s23] =	ssyncadd.s32 @p0 $0xFFFFDF80;
	(pc) =	sbr.rel @p1 .LBB2_1-.Ltmp3, $4  }
0x54: {  	[hbm:s8], [sflag:s14] =	dma.local @!p0 [spmem:s15], $0x2780  }
0x55: {  	_ =	swait.ge @!p0 [sflag:s22], $0x2780  }
0x56: {  	[sflag:s22] =	ssyncset.done @!p0 $0x0  }
0x57: {  	[sflag:s22] =	ssyncadd.s32 @!p0 $0xFFFFD880  }
0x58: {  	_ =	sfence.sel $0x180000  }
0x59: {  	[bflag:$0x0] =	sbarrier.arrive $0xFFFF  }
0x5a: {  	p0 =	sne.s32 s3, $0x0;
	_ =	strace $0x90000050  }
0x5b: {  	s0 =	sadd.s32 @!p0 $0x100000, s0;
	[bflag:$0x2] =	sbarrier.arrive $0xFFFF  }
0x5c: {  	[sflag:s0] =	ssyncadd.tile.s32 @!p0 $0x1;
	_ =	shalt  }
.Lfunc_end2:
_tile_overlayer_lowered:
.L_overlay_start_2:
0x5d: {  	(tag) =	ssettag $0x2  }
0x5e: {  	s0 =	rddreg [dreg:$0x0];
	s2 =	stileid.u32  }
0x5f: {  	s1 =	rddreg [dreg:$0x1];
	p0 =	sne.s32 s2, $0x0  }
0x60: {  	s3 =	rddreg [dreg:$0x2];
	[bflag:$0x3] =	sbarrier.arrive $0xFFFF;
	s2 =	simm.s32 @!p0 $0x1C02  }
0x61: {  	[timem:s3], [sflag:s2] =	dma.local @!p0 [hbm:s0], s1  }
0x62: {  	s0 =	simm.s32 @!p0 $0x2  }
0x63: {  	_ =	swait.ge @!p0 [sflag:s0], s1  }
0x64: {  	s1 =	ssub.s32 @!p0 $0x0, s1;
	[sflag:s0] =	ssyncset.done @!p0 $0x0  }
0x65: {  	[sflag:s0] =	ssyncadd.s32 @!p0 s1  }
0x66: {  	[bflag:$0x3] =	sbarrier.arrive $0xFFFF  }
0x67: {  	_ =	shalt  }

</sc_bundles>
